<compile_context>
chip_gen: v7x
topology: tpu7x:2x2x1
jax: 0.10.2.dev20260603
libtpu: 0.0.44.dev20260713+nightly
codegen_flags: <defaults>
</compile_context>

<pallas_src>
import functools

import jax
import jax.numpy as jnp
from jax import lax
from jax.experimental import pallas as pl
from jax.experimental.pallas import tpu as pltpu
from jax.experimental.pallas import tpu_sc as plsc

B, N, H, W = 4, 100000, 512, 512
HW = H * W

NC, NS, LANES = 2, 16, 16
CHUNK = 128
CPW = 6272
NCH = CPW // CHUNK
NP = NS * CPW
IPC = B // NC
SLICE = IPC * HW // NS
ZCHUNK = 2048


@functools.partial(
    pl.kernel,
    mesh=plsc.VectorSubcoreMesh(core_axis_name="c", subcore_axis_name="s"),
    out_type=jax.ShapeDtypeStruct((B * HW,), jnp.float32),
    scratch_types=[
        pltpu.VMEM((CPW,), jnp.float32),
        pltpu.VMEM((CPW,), jnp.int32),
        pltpu.VMEM((CPW,), jnp.int32),
        pltpu.VMEM((IPC, NCH, CHUNK), jnp.float32),
        pltpu.VMEM((IPC, NCH, CHUNK), jnp.int32),
        pltpu.VMEM((ZCHUNK,), jnp.float32),
        pltpu.VMEM_SHARED((IPC * HW,), jnp.float32),
    ],
)
def _sc_heatmap(logits_hbm, y_hbm, x_hbm, heat_hbm,
                lbuf, ybuf, xbuf, vals, idx, zbuf, heat_sh):
    c = lax.axis_index("c")
    s = lax.axis_index("s")

    @pl.loop(0, ZCHUNK, step=LANES)
    def _zero(i):
        zbuf[pl.ds(i, LANES)] = jnp.zeros((LANES,), jnp.float32)

    for t in range(SLICE // ZCHUNK):
        pltpu.sync_copy(zbuf, heat_sh.at[pl.ds(s * SLICE + t * ZCHUNK, ZCHUNK)])
    plsc.subcore_barrier()

    for k in range(IPC):
        item = c * IPC + k
        base = item * NP + s * CPW
        pltpu.sync_copy(logits_hbm.at[pl.ds(base, CPW)], lbuf)
        pltpu.sync_copy(y_hbm.at[pl.ds(base, CPW)], ybuf)
        pltpu.sync_copy(x_hbm.at[pl.ds(base, CPW)], xbuf)

        def _compute(j, k=k):
            for t in range(0, CHUNK, LANES):
                off = j * CHUNK + t
                yv = ybuf[pl.ds(off, LANES)]
                xv = xbuf[pl.ds(off, LANES)]
                yv = jnp.minimum(jnp.maximum(yv, 0), H - 1)
                xv = jnp.minimum(jnp.maximum(xv, 0), W - 1)
                idx[k, j, pl.ds(t, LANES)] = yv * W + xv + k * HW
                lv = lbuf[pl.ds(off, LANES)]
                vals[k, j, pl.ds(t, LANES)] = 1.0 / (1.0 + jnp.exp(-lv))

        pl.loop(0, NCH)(_compute)

        def _scatter(j, k=k):
            pltpu.sync_copy(vals.at[k, j], heat_sh.at[idx.at[k, j]], add=True)

        pl.loop(0, NCH)(_scatter)

    plsc.subcore_barrier()
    out_base = c * (IPC * HW) + s * SLICE
    pltpu.sync_copy(heat_sh.at[pl.ds(s * SLICE, SLICE)],
                    heat_hbm.at[pl.ds(out_base, SLICE)])


def _tc_nspace_body(lg_ref, lb_ref, oc_ref, sd_ref, in_ref, dr_ref, out_ref):
    x = lg_ref[...]
    t = lb_ref[...]
    p = 1.0 / (1.0 + jnp.exp(-x))
    bce = jnp.maximum(x, 0.0) - x * t + jnp.log(1.0 + jnp.exp(-jnp.abs(x)))
    s_bce = jnp.sum(bce, axis=1, keepdims=True)
    inter = jnp.sum(p * t, axis=1, keepdims=True)
    s_p = jnp.sum(p, axis=1, keepdims=True)
    s_t = jnp.sum(t, axis=1, keepdims=True)
    geo = p * ((1.0 - oc_ref[...]) + jnp.maximum(sd_ref[...], 0.0)
               + (1.0 - in_ref[...]) + jnp.abs(dr_ref[...]))
    s_geo = jnp.sum(geo, axis=1, keepdims=True)
    cols = lax.broadcasted_iota(jnp.int32, (B, 128), 1)
    out_ref[...] = (jnp.where(cols == 0, s_bce, 0.0)
                    + jnp.where(cols == 1, inter, 0.0)
                    + jnp.where(cols == 2, s_p, 0.0)
                    + jnp.where(cols == 3, s_t, 0.0)
                    + jnp.where(cols == 4, s_geo, 0.0))


_tc_nspace = pl.pallas_call(
    _tc_nspace_body,
    out_shape=jax.ShapeDtypeStruct((B, 128), jnp.float32),
)


def _tc_max_body(h_ref, out_ref):
    m = jnp.max(h_ref[...], axis=1, keepdims=True)
    out_ref[...] = jnp.broadcast_to(jnp.maximum(m, 1.0), (B, 128))


_tc_max = pl.pallas_call(
    _tc_max_body,
    out_shape=jax.ShapeDtypeStruct((B, 128), jnp.float32),
)


_BH = 32768
_NBLK = HW // _BH


def _tc_image_body(h_ref, t_ref, m_ref, out_ref):
    j = pl.program_id(0)

    @pl.when(j == 0)
    def _():
        out_ref[...] = jnp.zeros((B, 128), jnp.float32)

    h = h_ref[...]
    t = t_ref[...]
    m = m_ref[:, :1]
    p = jnp.clip(h / m, 1e-12, 1.0 - 1e-12)
    lp = jnp.maximum(jnp.log(p), -100.0)
    ln = jnp.maximum(jnp.log(1.0 - p), -100.0)
    bce = -(t * lp + (1.0 - t) * ln)
    s_bce = jnp.sum(bce, axis=1, keepdims=True)
    s_ht = jnp.sum(h * t, axis=1, keepdims=True)
    s_h = jnp.sum(h, axis=1, keepdims=True)
    s_t = jnp.sum(t, axis=1, keepdims=True)
    cols = lax.broadcasted_iota(jnp.int32, (B, 128), 1)
    out_ref[...] += (jnp.where(cols == 0, s_bce, 0.0)
                     + jnp.where(cols == 1, s_ht, 0.0)
                     + jnp.where(cols == 2, s_h, 0.0)
                     + jnp.where(cols == 3, s_t, 0.0))


_tc_image = pl.pallas_call(
    _tc_image_body,
    grid=(_NBLK,),
    in_specs=[
        pl.BlockSpec((B, _BH), lambda j: (0, j)),
        pl.BlockSpec((B, _BH), lambda j: (0, j)),
        pl.BlockSpec((B, 128), lambda j: (0, 0)),
    ],
    out_specs=pl.BlockSpec((B, 128), lambda j: (0, 0)),
    out_shape=jax.ShapeDtypeStruct((B, 128), jnp.float32),
)


def kernel(mask_logits, gaussian_label, occ_score, surface_distance,
           inside_flag, depth_residual, mask_2d, image_coords):
    smooth = 1e-6
    lam_mask, lam_geo, lam_reproj, lam_sparse = 1.0, 0.2, 0.5, 0.05

    pad = NP - N
    logits_p = jnp.pad(mask_logits, ((0, 0), (0, pad)),
                       constant_values=-1e9).reshape(-1)
    coords = image_coords.astype(jnp.int32)
    y_p = jnp.pad(coords[:, :, 0], ((0, 0), (0, pad))).reshape(-1)
    x_p = jnp.pad(coords[:, :, 1], ((0, 0), (0, pad))).reshape(-1)

    heat = _sc_heatmap(logits_p, y_p, x_p).reshape(B, HW)

    o1 = _tc_nspace(mask_logits, gaussian_label, occ_score,
                    surface_distance, inside_flag, depth_residual)

    mask2d = mask_2d.reshape(B, HW)
    mx = _tc_max(heat)
    o2 = _tc_image(heat, mask2d, mx)

    s_bce, inter, s_p, s_t, s_geo = (o1[:, 0], o1[:, 1], o1[:, 2],
                                     o1[:, 3], o1[:, 4])
    bce_n = s_bce / N
    dice_n = 1.0 - (2.0 * inter + smooth) / (s_p + s_t + smooth)
    mask_loss = jnp.mean(bce_n + dice_n)
    geometry_loss = jnp.mean(s_geo / N)
    sparse_loss = jnp.mean(s_p / N)

    m = mx[:, 0]
    bce_i = o2[:, 0] / HW
    inter_i = o2[:, 1] / m
    sp_i = o2[:, 2] / m
    st_i = o2[:, 3]
    dice_i = 1.0 - (2.0 * inter_i + smooth) / (sp_i + st_i + smooth)
    reprojection_loss = jnp.mean(bce_i + dice_i)

    total = (lam_mask * mask_loss + lam_geo * geometry_loss
             + lam_reproj * reprojection_loss + lam_sparse * sparse_loss)
    return jnp.stack([total, mask_loss, geometry_loss,
                      reprojection_loss, sparse_loss])

# --- scband reference (transcript-rebuilt; emitter-appended) ---
"""Pipeline reference for scband-geo-align-loss-77781857730995 (READ-ONLY COPY).

The authoritative reference and input builder live on the scoring server;
editing this copy changes nothing except your own understanding.
"""

import jax, jax.numpy as jnp
import numpy as np

B, N, H, W = 4, 100000, 512, 512


def setup_inputs(seed: int = 0) -> dict:
    key = jax.random.key(seed)
    ks = jax.random.split(key, 8)
    return {
        "mask_logits": jax.random.normal(ks[0], (B, N), dtype=jnp.float32),
        "gaussian_label": jax.random.uniform(ks[1], (B, N), dtype=jnp.float32),
        "occ_score": jax.random.uniform(ks[2], (B, N), dtype=jnp.float32),
        "surface_distance": jax.random.normal(ks[3], (B, N), dtype=jnp.float32),
        "inside_flag": jax.random.uniform(ks[4], (B, N), dtype=jnp.float32),
        "depth_residual": jax.random.normal(ks[5], (B, N), dtype=jnp.float32),
        "mask_2d": jax.random.uniform(ks[6], (B, 1, H, W), dtype=jnp.float32),
        "image_coords": jax.random.randint(ks[7], (B, N, 2), 0, 512),
    }


def _dice(p, t, smooth=1e-6):
    p = p.reshape(-1)
    t = t.reshape(-1)
    inter = (p * t).sum()
    den = p.sum() + t.sum()
    return 1.0 - (2.0 * inter + smooth) / (den + smooth)


def _bce_logits(x, t):
    return jnp.mean(jnp.maximum(x, 0.0) - x * t + jnp.log1p(jnp.exp(-jnp.abs(x))))


def _bce(p, t):
    p = jnp.clip(p, 1e-12, 1.0 - 1e-12)
    lp = jnp.maximum(jnp.log(p), -100.0)
    ln = jnp.maximum(jnp.log(1.0 - p), -100.0)
    return jnp.mean(-(t * lp + (1.0 - t) * ln))


def _fallback_project(probs_i, coords_i):
    y = jnp.clip(coords_i[:, 0], 0, H - 1)
    x = jnp.clip(coords_i[:, 1], 0, W - 1)
    flat = y * W + x
    heat = jnp.zeros((H * W,), dtype=probs_i.dtype).at[flat].add(probs_i)
    heat = heat.reshape(1, H, W)
    return heat / jnp.maximum(heat.max(), 1.0)


def reference(mask_logits, gaussian_label, occ_score, surface_distance, inside_flag, depth_residual, mask_2d, image_coords):
    lambda_mask, lambda_geo, lambda_reproj, lambda_sparse = 1.0, 0.2, 0.5, 0.05
    mask_losses, geo_losses, reproj_losses, sparse_losses = [], [], [], []
    for i in range(B):
        logits = mask_logits[i]
        probs = jax.nn.sigmoid(logits)
        target = gaussian_label[i]
        mask_losses.append(_bce_logits(logits, target) + _dice(probs, target))
        geometry = (probs * (1.0 - occ_score[i])
                    + probs * jnp.maximum(surface_distance[i], 0.0)
                    + probs * (1.0 - inside_flag[i])
                    + probs * jnp.abs(depth_residual[i])).mean()
        geo_losses.append(geometry)
        reproj = _fallback_project(probs, image_coords[i])
        reproj_losses.append(_bce(reproj, mask_2d[i]) + _dice(reproj, mask_2d[i]))
        sparse_losses.append(probs.mean())
    mask_loss = jnp.stack(mask_losses).mean()
    geometry_loss = jnp.stack(geo_losses).mean()
    reprojection_loss = jnp.stack(reproj_losses).mean()
    sparse_loss = jnp.stack(sparse_losses).mean()
    total = (lambda_mask * mask_loss + lambda_geo * geometry_loss
             + lambda_reproj * reprojection_loss + lambda_sparse * sparse_loss)
    return jnp.stack([total, mask_loss, geometry_loss, reprojection_loss, sparse_loss])

if __name__ == "__main__":
    import jax
    _d = setup_inputs()
    print(jax.jit(kernel)(*tuple(_d.values())))

</pallas_src>

<mosaic_0001>
#map = affine_map<(d0, d1) -> (0)>
module attributes {stable_mosaic.version = 14 : i64} {
  func.func @_sc_heatmap(%arg0: i32, %arg1: i32, %arg2: memref<401408xf32, #tpu.memory_space<hbm>>, %arg3: memref<401408xi32, #tpu.memory_space<hbm>>, %arg4: memref<401408xi32, #tpu.memory_space<hbm>>, %arg5: memref<1048576xf32, #tpu.memory_space<hbm>>, %arg6: memref<6272xf32, #tpu.memory_space<vmem>>, %arg7: memref<6272xi32, #tpu.memory_space<vmem>>, %arg8: memref<6272xi32, #tpu.memory_space<vmem>>, %arg9: memref<2x49x128xf32, #tpu.memory_space<vmem>>, %arg10: memref<2x49x128xi32, #tpu.memory_space<vmem>>, %arg11: memref<2048xf32, #tpu.memory_space<vmem>>, %arg12: memref<524288xf32, #tpu.memory_space<vmem_shared>>) attributes {dimension_semantics = [#tpu.dimension_semantics<core_parallel>, #tpu.dimension_semantics<subcore_parallel>], iteration_bounds = array<i64: 2, 16>, scalar_prefetch = 0 : i64, scratch_operands = 7 : i64, tpu.core_type = #tpu.core_type<sc_vector_subcore>, window_params = [{transform_indices = #map}, {transform_indices = #map}, {transform_indices = #map}, {transform_indices = #map}]} {
    %scan3A = arith.constant 0 : i32
    %scan3A_0 = arith.constant 128 : i32
    %scan3A_1 = arith.addi %scan3A, %scan3A_0 : i32
    %scan3A_2 = arith.constant 1 : i32
    scf.for %scan3A_112 = %scan3A to %scan3A_1 step %scan3A_2  : i32 {
      %mul3A_113 = arith.constant 16 : i32
      %mul3A_114 = arith.muli %scan3A_112, %mul3A_113 : i32
      %add3A_115 = arith.constant 0 : i32
      %add3A_116 = arith.addi %add3A_115, %mul3A_114 : i32
      %broadcast_in_dim3A = arith.constant 0.000000e+00 : f32
      %broadcast_in_dim3A_117 = vector.broadcast %broadcast_in_dim3A : f32 to vector<16xf32>
      %swap3A = arith.index_cast %add3A_116 : i32 to index
      %swap3A_118 = tpu.vector_load %arg11[%swap3A] {strides = array<i32>} : memref<2048xf32, #tpu.memory_space<vmem>>, vector<16xf32>,
      %swap3A_119 = vector.shape_cast %swap3A_118 : vector<16xf32> to vector<16xf32>
      %swap3A_120 = vector.shape_cast %broadcast_in_dim3A_117 : vector<16xf32> to vector<16xf32>
      tpu.vector_store %arg11[%swap3A], %swap3A_120 {strides = array<i32>} : memref<2048xf32, #tpu.memory_space<vmem>>, vector<16xf32>,
    }
    %scan3A_3 = arith.constant 128 : i32
    %mul3A = arith.constant 32768 : i32
    %mul3A_4 = arith.muli %arg1, %mul3A : i32
    %add3A = arith.constant 0 : i32
    %add3A_5 = arith.addi %mul3A_4, %add3A : i32
    "tpu.region"() ({
      %run_scoped3A = tpu.sem_alloc : memref<!tpu.dma_semaphore, #tpu.memory_space<semaphore_mem>>
      %dma_start3A = tpu.memref_slice %arg12[%add3A_5] : memref<524288xf32, #tpu.memory_space<vmem_shared>> -> memref<2048xf32, #tpu.memory_space<vmem_shared>>
      %dma_start3A_112 = tpu.memref_slice %arg12[%add3A_5] : memref<524288xf32, #tpu.memory_space<vmem_shared>> -> memref<2048xf32, #tpu.memory_space<vmem_shared>>
      tpu.enqueue_dma source(%arg11 : memref<2048xf32, #tpu.memory_space<vmem>>) target(%dma_start3A_112 : memref<2048xf32, #tpu.memory_space<vmem_shared>>) target_semaphore(%run_scoped3A : memref<!tpu.dma_semaphore, #tpu.memory_space<semaphore_mem>>)
      %dma_wait3A = tpu.memref_slice %arg12[%add3A_5] : memref<524288xf32, #tpu.memory_space<vmem_shared>> -> memref<2048xf32, #tpu.memory_space<vmem_shared>>
      %dma_wait3A_113 = tpu.memref_slice %arg12[%add3A_5] : memref<524288xf32, #tpu.memory_space<vmem_shared>> -> memref<2048xf32, #tpu.memory_space<vmem_shared>>
      tpu.wait_dma2 semaphore(%run_scoped3A : memref<!tpu.dma_semaphore, #tpu.memory_space<semaphore_mem>>) src(%arg11 : memref<2048xf32, #tpu.memory_space<vmem>>) dst(%dma_wait3A_113 : memref<2048xf32, #tpu.memory_space<vmem_shared>>)
      tpu.yield
    }) : () -> ()
    %mul3A_6 = arith.constant 32768 : i32
    %mul3A_7 = arith.muli %arg1, %mul3A_6 : i32
    %add3A_8 = arith.constant 2048 : i32
    %add3A_9 = arith.addi %mul3A_7, %add3A_8 : i32
    "tpu.region"() ({
      %run_scoped3A = tpu.sem_alloc : memref<!tpu.dma_semaphore, #tpu.memory_space<semaphore_mem>>
      %dma_start3A = tpu.memref_slice %arg12[%add3A_9] : memref<524288xf32, #tpu.memory_space<vmem_shared>> -> memref<2048xf32, #tpu.memory_space<vmem_shared>>
      %dma_start3A_112 = tpu.memref_slice %arg12[%add3A_9] : memref<524288xf32, #tpu.memory_space<vmem_shared>> -> memref<2048xf32, #tpu.memory_space<vmem_shared>>
      tpu.enqueue_dma source(%arg11 : memref<2048xf32, #tpu.memory_space<vmem>>) target(%dma_start3A_112 : memref<2048xf32, #tpu.memory_space<vmem_shared>>) target_semaphore(%run_scoped3A : memref<!tpu.dma_semaphore, #tpu.memory_space<semaphore_mem>>)
      %dma_wait3A = tpu.memref_slice %arg12[%add3A_9] : memref<524288xf32, #tpu.memory_space<vmem_shared>> -> memref<2048xf32, #tpu.memory_space<vmem_shared>>
      %dma_wait3A_113 = tpu.memref_slice %arg12[%add3A_9] : memref<524288xf32, #tpu.memory_space<vmem_shared>> -> memref<2048xf32, #tpu.memory_space<vmem_shared>>
      tpu.wait_dma2 semaphore(%run_scoped3A : memref<!tpu.dma_semaphore, #tpu.memory_space<semaphore_mem>>) src(%arg11 : memref<2048xf32, #tpu.memory_space<vmem>>) dst(%dma_wait3A_113 : memref<2048xf32, #tpu.memory_space<vmem_shared>>)
      tpu.yield
    }) : () -> ()
    %mul3A_10 = arith.constant 32768 : i32
    %mul3A_11 = arith.muli %arg1, %mul3A_10 : i32
    %add3A_12 = arith.constant 4096 : i32
    %add3A_13 = arith.addi %mul3A_11, %add3A_12 : i32
    "tpu.region"() ({
      %run_scoped3A = tpu.sem_alloc : memref<!tpu.dma_semaphore, #tpu.memory_space<semaphore_mem>>
      %dma_start3A = tpu.memref_slice %arg12[%add3A_13] : memref<524288xf32, #tpu.memory_space<vmem_shared>> -> memref<2048xf32, #tpu.memory_space<vmem_shared>>
      %dma_start3A_112 = tpu.memref_slice %arg12[%add3A_13] : memref<524288xf32, #tpu.memory_space<vmem_shared>> -> memref<2048xf32, #tpu.memory_space<vmem_shared>>
      tpu.enqueue_dma source(%arg11 : memref<2048xf32, #tpu.memory_space<vmem>>) target(%dma_start3A_112 : memref<2048xf32, #tpu.memory_space<vmem_shared>>) target_semaphore(%run_scoped3A : memref<!tpu.dma_semaphore, #tpu.memory_space<semaphore_mem>>)
      %dma_wait3A = tpu.memref_slice %arg12[%add3A_13] : memref<524288xf32, #tpu.memory_space<vmem_shared>> -> memref<2048xf32, #tpu.memory_space<vmem_shared>>
      %dma_wait3A_113 = tpu.memref_slice %arg12[%add3A_13] : memref<524288xf32, #tpu.memory_space<vmem_shared>> -> memref<2048xf32, #tpu.memory_space<vmem_shared>>
      tpu.wait_dma2 semaphore(%run_scoped3A : memref<!tpu.dma_semaphore, #tpu.memory_space<semaphore_mem>>) src(%arg11 : memref<2048xf32, #tpu.memory_space<vmem>>) dst(%dma_wait3A_113 : memref<2048xf32, #tpu.memory_space<vmem_shared>>)
      tpu.yield
    }) : () -> ()
    %mul3A_14 = arith.constant 32768 : i32
    %mul3A_15 = arith.muli %arg1, %mul3A_14 : i32
    %add3A_16 = arith.constant 6144 : i32
    %add3A_17 = arith.addi %mul3A_15, %add3A_16 : i32
    "tpu.region"() ({
      %run_scoped3A = tpu.sem_alloc : memref<!tpu.dma_semaphore, #tpu.memory_space<semaphore_mem>>
      %dma_start3A = tpu.memref_slice %arg12[%add3A_17] : memref<524288xf32, #tpu.memory_space<vmem_shared>> -> memref<2048xf32, #tpu.memory_space<vmem_shared>>
      %dma_start3A_112 = tpu.memref_slice %arg12[%add3A_17] : memref<524288xf32, #tpu.memory_space<vmem_shared>> -> memref<2048xf32, #tpu.memory_space<vmem_shared>>
      tpu.enqueue_dma source(%arg11 : memref<2048xf32, #tpu.memory_space<vmem>>) target(%dma_start3A_112 : memref<2048xf32, #tpu.memory_space<vmem_shared>>) target_semaphore(%run_scoped3A : memref<!tpu.dma_semaphore, #tpu.memory_space<semaphore_mem>>)
      %dma_wait3A = tpu.memref_slice %arg12[%add3A_17] : memref<524288xf32, #tpu.memory_space<vmem_shared>> -> memref<2048xf32, #tpu.memory_space<vmem_shared>>
      %dma_wait3A_113 = tpu.memref_slice %arg12[%add3A_17] : memref<524288xf32, #tpu.memory_space<vmem_shared>> -> memref<2048xf32, #tpu.memory_space<vmem_shared>>
      tpu.wait_dma2 semaphore(%run_scoped3A : memref<!tpu.dma_semaphore, #tpu.memory_space<semaphore_mem>>) src(%arg11 : memref<2048xf32, #tpu.memory_space<vmem>>) dst(%dma_wait3A_113 : memref<2048xf32, #tpu.memory_space<vmem_shared>>)
      tpu.yield
    }) : () -> ()
    %mul3A_18 = arith.constant 32768 : i32
    %mul3A_19 = arith.muli %arg1, %mul3A_18 : i32
    %add3A_20 = arith.constant 8192 : i32
    %add3A_21 = arith.addi %mul3A_19, %add3A_20 : i32
    "tpu.region"() ({
      %run_scoped3A = tpu.sem_alloc : memref<!tpu.dma_semaphore, #tpu.memory_space<semaphore_mem>>
      %dma_start3A = tpu.memref_slice %arg12[%add3A_21] : memref<524288xf32, #tpu.memory_space<vmem_shared>> -> memref<2048xf32, #tpu.memory_space<vmem_shared>>
      %dma_start3A_112 = tpu.memref_slice %arg12[%add3A_21] : memref<524288xf32, #tpu.memory_space<vmem_shared>> -> memref<2048xf32, #tpu.memory_space<vmem_shared>>
      tpu.enqueue_dma source(%arg11 : memref<2048xf32, #tpu.memory_space<vmem>>) target(%dma_start3A_112 : memref<2048xf32, #tpu.memory_space<vmem_shared>>) target_semaphore(%run_scoped3A : memref<!tpu.dma_semaphore, #tpu.memory_space<semaphore_mem>>)
      %dma_wait3A = tpu.memref_slice %arg12[%add3A_21] : memref<524288xf32, #tpu.memory_space<vmem_shared>> -> memref<2048xf32, #tpu.memory_space<vmem_shared>>
      %dma_wait3A_113 = tpu.memref_slice %arg12[%add3A_21] : memref<524288xf32, #tpu.memory_space<vmem_shared>> -> memref<2048xf32, #tpu.memory_space<vmem_shared>>
      tpu.wait_dma2 semaphore(%run_scoped3A : memref<!tpu.dma_semaphore, #tpu.memory_space<semaphore_mem>>) src(%arg11 : memref<2048xf32, #tpu.memory_space<vmem>>) dst(%dma_wait3A_113 : memref<2048xf32, #tpu.memory_space<vmem_shared>>)
      tpu.yield
    }) : () -> ()
    %mul3A_22 = arith.constant 32768 : i32
    %mul3A_23 = arith.muli %arg1, %mul3A_22 : i32
    %add3A_24 = arith.constant 10240 : i32
    %add3A_25 = arith.addi %mul3A_23, %add3A_24 : i32
    "tpu.region"() ({
      %run_scoped3A = tpu.sem_alloc : memref<!tpu.dma_semaphore, #tpu.memory_space<semaphore_mem>>
      %dma_start3A = tpu.memref_slice %arg12[%add3A_25] : memref<524288xf32, #tpu.memory_space<vmem_shared>> -> memref<2048xf32, #tpu.memory_space<vmem_shared>>
      %dma_start3A_112 = tpu.memref_slice %arg12[%add3A_25] : memref<524288xf32, #tpu.memory_space<vmem_shared>> -> memref<2048xf32, #tpu.memory_space<vmem_shared>>
      tpu.enqueue_dma source(%arg11 : memref<2048xf32, #tpu.memory_space<vmem>>) target(%dma_start3A_112 : memref<2048xf32, #tpu.memory_space<vmem_shared>>) target_semaphore(%run_scoped3A : memref<!tpu.dma_semaphore, #tpu.memory_space<semaphore_mem>>)
      %dma_wait3A = tpu.memref_slice %arg12[%add3A_25] : memref<524288xf32, #tpu.memory_space<vmem_shared>> -> memref<2048xf32, #tpu.memory_space<vmem_shared>>
      %dma_wait3A_113 = tpu.memref_slice %arg12[%add3A_25] : memref<524288xf32, #tpu.memory_space<vmem_shared>> -> memref<2048xf32, #tpu.memory_space<vmem_shared>>
      tpu.wait_dma2 semaphore(%run_scoped3A : memref<!tpu.dma_semaphore, #tpu.memory_space<semaphore_mem>>) src(%arg11 : memref<2048xf32, #tpu.memory_space<vmem>>) dst(%dma_wait3A_113 : memref<2048xf32, #tpu.memory_space<vmem_shared>>)
      tpu.yield
    }) : () -> ()
    %mul3A_26 = arith.constant 32768 : i32
    %mul3A_27 = arith.muli %arg1, %mul3A_26 : i32
    %add3A_28 = arith.constant 12288 : i32
    %add3A_29 = arith.addi %mul3A_27, %add3A_28 : i32
    "tpu.region"() ({
      %run_scoped3A = tpu.sem_alloc : memref<!tpu.dma_semaphore, #tpu.memory_space<semaphore_mem>>
      %dma_start3A = tpu.memref_slice %arg12[%add3A_29] : memref<524288xf32, #tpu.memory_space<vmem_shared>> -> memref<2048xf32, #tpu.memory_space<vmem_shared>>
      %dma_start3A_112 = tpu.memref_slice %arg12[%add3A_29] : memref<524288xf32, #tpu.memory_space<vmem_shared>> -> memref<2048xf32, #tpu.memory_space<vmem_shared>>
      tpu.enqueue_dma source(%arg11 : memref<2048xf32, #tpu.memory_space<vmem>>) target(%dma_start3A_112 : memref<2048xf32, #tpu.memory_space<vmem_shared>>) target_semaphore(%run_scoped3A : memref<!tpu.dma_semaphore, #tpu.memory_space<semaphore_mem>>)
      %dma_wait3A = tpu.memref_slice %arg12[%add3A_29] : memref<524288xf32, #tpu.memory_space<vmem_shared>> -> memref<2048xf32, #tpu.memory_space<vmem_shared>>
      %dma_wait3A_113 = tpu.memref_slice %arg12[%add3A_29] : memref<524288xf32, #tpu.memory_space<vmem_shared>> -> memref<2048xf32, #tpu.memory_space<vmem_shared>>
      tpu.wait_dma2 semaphore(%run_scoped3A : memref<!tpu.dma_semaphore, #tpu.memory_space<semaphore_mem>>) src(%arg11 : memref<2048xf32, #tpu.memory_space<vmem>>) dst(%dma_wait3A_113 : memref<2048xf32, #tpu.memory_space<vmem_shared>>)
      tpu.yield
    }) : () -> ()
    %mul3A_30 = arith.constant 32768 : i32
    %mul3A_31 = arith.muli %arg1, %mul3A_30 : i32
    %add3A_32 = arith.constant 14336 : i32
    %add3A_33 = arith.addi %mul3A_31, %add3A_32 : i32
    "tpu.region"() ({
      %run_scoped3A = tpu.sem_alloc : memref<!tpu.dma_semaphore, #tpu.memory_space<semaphore_mem>>
      %dma_start3A = tpu.memref_slice %arg12[%add3A_33] : memref<524288xf32, #tpu.memory_space<vmem_shared>> -> memref<2048xf32, #tpu.memory_space<vmem_shared>>
      %dma_start3A_112 = tpu.memref_slice %arg12[%add3A_33] : memref<524288xf32, #tpu.memory_space<vmem_shared>> -> memref<2048xf32, #tpu.memory_space<vmem_shared>>
      tpu.enqueue_dma source(%arg11 : memref<2048xf32, #tpu.memory_space<vmem>>) target(%dma_start3A_112 : memref<2048xf32, #tpu.memory_space<vmem_shared>>) target_semaphore(%run_scoped3A : memref<!tpu.dma_semaphore, #tpu.memory_space<semaphore_mem>>)
      %dma_wait3A = tpu.memref_slice %arg12[%add3A_33] : memref<524288xf32, #tpu.memory_space<vmem_shared>> -> memref<2048xf32, #tpu.memory_space<vmem_shared>>
      %dma_wait3A_113 = tpu.memref_slice %arg12[%add3A_33] : memref<524288xf32, #tpu.memory_space<vmem_shared>> -> memref<2048xf32, #tpu.memory_space<vmem_shared>>
      tpu.wait_dma2 semaphore(%run_scoped3A : memref<!tpu.dma_semaphore, #tpu.memory_space<semaphore_mem>>) src(%arg11 : memref<2048xf32, #tpu.memory_space<vmem>>) dst(%dma_wait3A_113 : memref<2048xf32, #tpu.memory_space<vmem_shared>>)
      tpu.yield
    }) : () -> ()
    %mul3A_34 = arith.constant 32768 : i32
    %mul3A_35 = arith.muli %arg1, %mul3A_34 : i32
    %add3A_36 = arith.constant 16384 : i32
    %add3A_37 = arith.addi %mul3A_35, %add3A_36 : i32
    "tpu.region"() ({
      %run_scoped3A = tpu.sem_alloc : memref<!tpu.dma_semaphore, #tpu.memory_space<semaphore_mem>>
      %dma_start3A = tpu.memref_slice %arg12[%add3A_37] : memref<524288xf32, #tpu.memory_space<vmem_shared>> -> memref<2048xf32, #tpu.memory_space<vmem_shared>>
      %dma_start3A_112 = tpu.memref_slice %arg12[%add3A_37] : memref<524288xf32, #tpu.memory_space<vmem_shared>> -> memref<2048xf32, #tpu.memory_space<vmem_shared>>
      tpu.enqueue_dma source(%arg11 : memref<2048xf32, #tpu.memory_space<vmem>>) target(%dma_start3A_112 : memref<2048xf32, #tpu.memory_space<vmem_shared>>) target_semaphore(%run_scoped3A : memref<!tpu.dma_semaphore, #tpu.memory_space<semaphore_mem>>)
      %dma_wait3A = tpu.memref_slice %arg12[%add3A_37] : memref<524288xf32, #tpu.memory_space<vmem_shared>> -> memref<2048xf32, #tpu.memory_space<vmem_shared>>
      %dma_wait3A_113 = tpu.memref_slice %arg12[%add3A_37] : memref<524288xf32, #tpu.memory_space<vmem_shared>> -> memref<2048xf32, #tpu.memory_space<vmem_shared>>
      tpu.wait_dma2 semaphore(%run_scoped3A : memref<!tpu.dma_semaphore, #tpu.memory_space<semaphore_mem>>) src(%arg11 : memref<2048xf32, #tpu.memory_space<vmem>>) dst(%dma_wait3A_113 : memref<2048xf32, #tpu.memory_space<vmem_shared>>)
      tpu.yield
    }) : () -> ()
    %mul3A_38 = arith.constant 32768 : i32
    %mul3A_39 = arith.muli %arg1, %mul3A_38 : i32
    %add3A_40 = arith.constant 18432 : i32
    %add3A_41 = arith.addi %mul3A_39, %add3A_40 : i32
    "tpu.region"() ({
      %run_scoped3A = tpu.sem_alloc : memref<!tpu.dma_semaphore, #tpu.memory_space<semaphore_mem>>
      %dma_start3A = tpu.memref_slice %arg12[%add3A_41] : memref<524288xf32, #tpu.memory_space<vmem_shared>> -> memref<2048xf32, #tpu.memory_space<vmem_shared>>
      %dma_start3A_112 = tpu.memref_slice %arg12[%add3A_41] : memref<524288xf32, #tpu.memory_space<vmem_shared>> -> memref<2048xf32, #tpu.memory_space<vmem_shared>>
      tpu.enqueue_dma source(%arg11 : memref<2048xf32, #tpu.memory_space<vmem>>) target(%dma_start3A_112 : memref<2048xf32, #tpu.memory_space<vmem_shared>>) target_semaphore(%run_scoped3A : memref<!tpu.dma_semaphore, #tpu.memory_space<semaphore_mem>>)
      %dma_wait3A = tpu.memref_slice %arg12[%add3A_41] : memref<524288xf32, #tpu.memory_space<vmem_shared>> -> memref<2048xf32, #tpu.memory_space<vmem_shared>>
      %dma_wait3A_113 = tpu.memref_slice %arg12[%add3A_41] : memref<524288xf32, #tpu.memory_space<vmem_shared>> -> memref<2048xf32, #tpu.memory_space<vmem_shared>>
      tpu.wait_dma2 semaphore(%run_scoped3A : memref<!tpu.dma_semaphore, #tpu.memory_space<semaphore_mem>>) src(%arg11 : memref<2048xf32, #tpu.memory_space<vmem>>) dst(%dma_wait3A_113 : memref<2048xf32, #tpu.memory_space<vmem_shared>>)
      tpu.yield
    }) : () -> ()
    %mul3A_42 = arith.constant 32768 : i32
    %mul3A_43 = arith.muli %arg1, %mul3A_42 : i32
    %add3A_44 = arith.constant 20480 : i32
    %add3A_45 = arith.addi %mul3A_43, %add3A_44 : i32
    "tpu.region"() ({
      %run_scoped3A = tpu.sem_alloc : memref<!tpu.dma_semaphore, #tpu.memory_space<semaphore_mem>>
      %dma_start3A = tpu.memref_slice %arg12[%add3A_45] : memref<524288xf32, #tpu.memory_space<vmem_shared>> -> memref<2048xf32, #tpu.memory_space<vmem_shared>>
      %dma_start3A_112 = tpu.memref_slice %arg12[%add3A_45] : memref<524288xf32, #tpu.memory_space<vmem_shared>> -> memref<2048xf32, #tpu.memory_space<vmem_shared>>
      tpu.enqueue_dma source(%arg11 : memref<2048xf32, #tpu.memory_space<vmem>>) target(%dma_start3A_112 : memref<2048xf32, #tpu.memory_space<vmem_shared>>) target_semaphore(%run_scoped3A : memref<!tpu.dma_semaphore, #tpu.memory_space<semaphore_mem>>)
      %dma_wait3A = tpu.memref_slice %arg12[%add3A_45] : memref<524288xf32, #tpu.memory_space<vmem_shared>> -> memref<2048xf32, #tpu.memory_space<vmem_shared>>
      %dma_wait3A_113 = tpu.memref_slice %arg12[%add3A_45] : memref<524288xf32, #tpu.memory_space<vmem_shared>> -> memref<2048xf32, #tpu.memory_space<vmem_shared>>
      tpu.wait_dma2 semaphore(%run_scoped3A : memref<!tpu.dma_semaphore, #tpu.memory_space<semaphore_mem>>) src(%arg11 : memref<2048xf32, #tpu.memory_space<vmem>>) dst(%dma_wait3A_113 : memref<2048xf32, #tpu.memory_space<vmem_shared>>)
      tpu.yield
    }) : () -> ()
    %mul3A_46 = arith.constant 32768 : i32
    %mul3A_47 = arith.muli %arg1, %mul3A_46 : i32
    %add3A_48 = arith.constant 22528 : i32
    %add3A_49 = arith.addi %mul3A_47, %add3A_48 : i32
    "tpu.region"() ({
      %run_scoped3A = tpu.sem_alloc : memref<!tpu.dma_semaphore, #tpu.memory_space<semaphore_mem>>
      %dma_start3A = tpu.memref_slice %arg12[%add3A_49] : memref<524288xf32, #tpu.memory_space<vmem_shared>> -> memref<2048xf32, #tpu.memory_space<vmem_shared>>
      %dma_start3A_112 = tpu.memref_slice %arg12[%add3A_49] : memref<524288xf32, #tpu.memory_space<vmem_shared>> -> memref<2048xf32, #tpu.memory_space<vmem_shared>>
      tpu.enqueue_dma source(%arg11 : memref<2048xf32, #tpu.memory_space<vmem>>) target(%dma_start3A_112 : memref<2048xf32, #tpu.memory_space<vmem_shared>>) target_semaphore(%run_scoped3A : memref<!tpu.dma_semaphore, #tpu.memory_space<semaphore_mem>>)
      %dma_wait3A = tpu.memref_slice %arg12[%add3A_49] : memref<524288xf32, #tpu.memory_space<vmem_shared>> -> memref<2048xf32, #tpu.memory_space<vmem_shared>>
      %dma_wait3A_113 = tpu.memref_slice %arg12[%add3A_49] : memref<524288xf32, #tpu.memory_space<vmem_shared>> -> memref<2048xf32, #tpu.memory_space<vmem_shared>>
      tpu.wait_dma2 semaphore(%run_scoped3A : memref<!tpu.dma_semaphore, #tpu.memory_space<semaphore_mem>>) src(%arg11 : memref<2048xf32, #tpu.memory_space<vmem>>) dst(%dma_wait3A_113 : memref<2048xf32, #tpu.memory_space<vmem_shared>>)
      tpu.yield
    }) : () -> ()
    %mul3A_50 = arith.constant 32768 : i32
    %mul3A_51 = arith.muli %arg1, %mul3A_50 : i32
    %add3A_52 = arith.constant 24576 : i32
    %add3A_53 = arith.addi %mul3A_51, %add3A_52 : i32
    "tpu.region"() ({
      %run_scoped3A = tpu.sem_alloc : memref<!tpu.dma_semaphore, #tpu.memory_space<semaphore_mem>>
      %dma_start3A = tpu.memref_slice %arg12[%add3A_53] : memref<524288xf32, #tpu.memory_space<vmem_shared>> -> memref<2048xf32, #tpu.memory_space<vmem_shared>>
      %dma_start3A_112 = tpu.memref_slice %arg12[%add3A_53] : memref<524288xf32, #tpu.memory_space<vmem_shared>> -> memref<2048xf32, #tpu.memory_space<vmem_shared>>
      tpu.enqueue_dma source(%arg11 : memref<2048xf32, #tpu.memory_space<vmem>>) target(%dma_start3A_112 : memref<2048xf32, #tpu.memory_space<vmem_shared>>) target_semaphore(%run_scoped3A : memref<!tpu.dma_semaphore, #tpu.memory_space<semaphore_mem>>)
      %dma_wait3A = tpu.memref_slice %arg12[%add3A_53] : memref<524288xf32, #tpu.memory_space<vmem_shared>> -> memref<2048xf32, #tpu.memory_space<vmem_shared>>
      %dma_wait3A_113 = tpu.memref_slice %arg12[%add3A_53] : memref<524288xf32, #tpu.memory_space<vmem_shared>> -> memref<2048xf32, #tpu.memory_space<vmem_shared>>
      tpu.wait_dma2 semaphore(%run_scoped3A : memref<!tpu.dma_semaphore, #tpu.memory_space<semaphore_mem>>) src(%arg11 : memref<2048xf32, #tpu.memory_space<vmem>>) dst(%dma_wait3A_113 : memref<2048xf32, #tpu.memory_space<vmem_shared>>)
      tpu.yield
    }) : () -> ()
    %mul3A_54 = arith.constant 32768 : i32
    %mul3A_55 = arith.muli %arg1, %mul3A_54 : i32
    %add3A_56 = arith.constant 26624 : i32
    %add3A_57 = arith.addi %mul3A_55, %add3A_56 : i32
    "tpu.region"() ({
      %run_scoped3A = tpu.sem_alloc : memref<!tpu.dma_semaphore, #tpu.memory_space<semaphore_mem>>
      %dma_start3A = tpu.memref_slice %arg12[%add3A_57] : memref<524288xf32, #tpu.memory_space<vmem_shared>> -> memref<2048xf32, #tpu.memory_space<vmem_shared>>
      %dma_start3A_112 = tpu.memref_slice %arg12[%add3A_57] : memref<524288xf32, #tpu.memory_space<vmem_shared>> -> memref<2048xf32, #tpu.memory_space<vmem_shared>>
      tpu.enqueue_dma source(%arg11 : memref<2048xf32, #tpu.memory_space<vmem>>) target(%dma_start3A_112 : memref<2048xf32, #tpu.memory_space<vmem_shared>>) target_semaphore(%run_scoped3A : memref<!tpu.dma_semaphore, #tpu.memory_space<semaphore_mem>>)
      %dma_wait3A = tpu.memref_slice %arg12[%add3A_57] : memref<524288xf32, #tpu.memory_space<vmem_shared>> -> memref<2048xf32, #tpu.memory_space<vmem_shared>>
      %dma_wait3A_113 = tpu.memref_slice %arg12[%add3A_57] : memref<524288xf32, #tpu.memory_space<vmem_shared>> -> memref<2048xf32, #tpu.memory_space<vmem_shared>>
      tpu.wait_dma2 semaphore(%run_scoped3A : memref<!tpu.dma_semaphore, #tpu.memory_space<semaphore_mem>>) src(%arg11 : memref<2048xf32, #tpu.memory_space<vmem>>) dst(%dma_wait3A_113 : memref<2048xf32, #tpu.memory_space<vmem_shared>>)
      tpu.yield
    }) : () -> ()
    %mul3A_58 = arith.constant 32768 : i32
    %mul3A_59 = arith.muli %arg1, %mul3A_58 : i32
    %add3A_60 = arith.constant 28672 : i32
    %add3A_61 = arith.addi %mul3A_59, %add3A_60 : i32
    "tpu.region"() ({
      %run_scoped3A = tpu.sem_alloc : memref<!tpu.dma_semaphore, #tpu.memory_space<semaphore_mem>>
      %dma_start3A = tpu.memref_slice %arg12[%add3A_61] : memref<524288xf32, #tpu.memory_space<vmem_shared>> -> memref<2048xf32, #tpu.memory_space<vmem_shared>>
      %dma_start3A_112 = tpu.memref_slice %arg12[%add3A_61] : memref<524288xf32, #tpu.memory_space<vmem_shared>> -> memref<2048xf32, #tpu.memory_space<vmem_shared>>
      tpu.enqueue_dma source(%arg11 : memref<2048xf32, #tpu.memory_space<vmem>>) target(%dma_start3A_112 : memref<2048xf32, #tpu.memory_space<vmem_shared>>) target_semaphore(%run_scoped3A : memref<!tpu.dma_semaphore, #tpu.memory_space<semaphore_mem>>)
      %dma_wait3A = tpu.memref_slice %arg12[%add3A_61] : memref<524288xf32, #tpu.memory_space<vmem_shared>> -> memref<2048xf32, #tpu.memory_space<vmem_shared>>
      %dma_wait3A_113 = tpu.memref_slice %arg12[%add3A_61] : memref<524288xf32, #tpu.memory_space<vmem_shared>> -> memref<2048xf32, #tpu.memory_space<vmem_shared>>
      tpu.wait_dma2 semaphore(%run_scoped3A : memref<!tpu.dma_semaphore, #tpu.memory_space<semaphore_mem>>) src(%arg11 : memref<2048xf32, #tpu.memory_space<vmem>>) dst(%dma_wait3A_113 : memref<2048xf32, #tpu.memory_space<vmem_shared>>)
      tpu.yield
    }) : () -> ()
    %mul3A_62 = arith.constant 32768 : i32
    %mul3A_63 = arith.muli %arg1, %mul3A_62 : i32
    %add3A_64 = arith.constant 30720 : i32
    %add3A_65 = arith.addi %mul3A_63, %add3A_64 : i32
    "tpu.region"() ({
      %run_scoped3A = tpu.sem_alloc : memref<!tpu.dma_semaphore, #tpu.memory_space<semaphore_mem>>
      %dma_start3A = tpu.memref_slice %arg12[%add3A_65] : memref<524288xf32, #tpu.memory_space<vmem_shared>> -> memref<2048xf32, #tpu.memory_space<vmem_shared>>
      %dma_start3A_112 = tpu.memref_slice %arg12[%add3A_65] : memref<524288xf32, #tpu.memory_space<vmem_shared>> -> memref<2048xf32, #tpu.memory_space<vmem_shared>>
      tpu.enqueue_dma source(%arg11 : memref<2048xf32, #tpu.memory_space<vmem>>) target(%dma_start3A_112 : memref<2048xf32, #tpu.memory_space<vmem_shared>>) target_semaphore(%run_scoped3A : memref<!tpu.dma_semaphore, #tpu.memory_space<semaphore_mem>>)
      %dma_wait3A = tpu.memref_slice %arg12[%add3A_65] : memref<524288xf32, #tpu.memory_space<vmem_shared>> -> memref<2048xf32, #tpu.memory_space<vmem_shared>>
      %dma_wait3A_113 = tpu.memref_slice %arg12[%add3A_65] : memref<524288xf32, #tpu.memory_space<vmem_shared>> -> memref<2048xf32, #tpu.memory_space<vmem_shared>>
      tpu.wait_dma2 semaphore(%run_scoped3A : memref<!tpu.dma_semaphore, #tpu.memory_space<semaphore_mem>>) src(%arg11 : memref<2048xf32, #tpu.memory_space<vmem>>) dst(%dma_wait3A_113 : memref<2048xf32, #tpu.memory_space<vmem_shared>>)
      tpu.yield
    }) : () -> ()
    %barrier3A = arith.constant 0 : index
    tpu.barrier barrier_id(%barrier3A)
    %mul3A_66 = arith.constant 2 : i32
    %mul3A_67 = arith.muli %arg0, %mul3A_66 : i32
    %add3A_68 = arith.constant 0 : i32
    %add3A_69 = arith.addi %mul3A_67, %add3A_68 : i32
    %mul3A_70 = arith.constant 100352 : i32
    %mul3A_71 = arith.muli %add3A_69, %mul3A_70 : i32
    %mul3A_72 = arith.constant 6272 : i32
    %mul3A_73 = arith.muli %arg1, %mul3A_72 : i32
    %add3A_74 = arith.addi %mul3A_71, %mul3A_73 : i32
    "tpu.region"() ({
      %run_scoped3A = tpu.sem_alloc : memref<!tpu.dma_semaphore, #tpu.memory_space<semaphore_mem>>
      %dma_start3A = tpu.memref_slice %arg2[%add3A_74] : memref<401408xf32, #tpu.memory_space<hbm>> -> memref<6272xf32, #tpu.memory_space<hbm>>
      %dma_start3A_112 = tpu.memref_slice %arg2[%add3A_74] : memref<401408xf32, #tpu.memory_space<hbm>> -> memref<6272xf32, #tpu.memory_space<hbm>>
      tpu.enqueue_dma source(%dma_start3A_112 : memref<6272xf32, #tpu.memory_space<hbm>>) target(%arg6 : memref<6272xf32, #tpu.memory_space<vmem>>) target_semaphore(%run_scoped3A : memref<!tpu.dma_semaphore, #tpu.memory_space<semaphore_mem>>)
      %dma_wait3A = tpu.memref_slice %arg2[%add3A_74] : memref<401408xf32, #tpu.memory_space<hbm>> -> memref<6272xf32, #tpu.memory_space<hbm>>
      %dma_wait3A_113 = tpu.memref_slice %arg2[%add3A_74] : memref<401408xf32, #tpu.memory_space<hbm>> -> memref<6272xf32, #tpu.memory_space<hbm>>
      tpu.wait_dma2 semaphore(%run_scoped3A : memref<!tpu.dma_semaphore, #tpu.memory_space<semaphore_mem>>) src(%dma_wait3A_113 : memref<6272xf32, #tpu.memory_space<hbm>>) dst(%arg6 : memref<6272xf32, #tpu.memory_space<vmem>>)
      tpu.yield
    }) : () -> ()
    "tpu.region"() ({
      %run_scoped3A = tpu.sem_alloc : memref<!tpu.dma_semaphore, #tpu.memory_space<semaphore_mem>>
      %dma_start3A = tpu.memref_slice %arg3[%add3A_74] : memref<401408xi32, #tpu.memory_space<hbm>> -> memref<6272xi32, #tpu.memory_space<hbm>>
      %dma_start3A_112 = tpu.memref_slice %arg3[%add3A_74] : memref<401408xi32, #tpu.memory_space<hbm>> -> memref<6272xi32, #tpu.memory_space<hbm>>
      tpu.enqueue_dma source(%dma_start3A_112 : memref<6272xi32, #tpu.memory_space<hbm>>) target(%arg7 : memref<6272xi32, #tpu.memory_space<vmem>>) target_semaphore(%run_scoped3A : memref<!tpu.dma_semaphore, #tpu.memory_space<semaphore_mem>>)
      %dma_wait3A = tpu.memref_slice %arg3[%add3A_74] : memref<401408xi32, #tpu.memory_space<hbm>> -> memref<6272xi32, #tpu.memory_space<hbm>>
      %dma_wait3A_113 = tpu.memref_slice %arg3[%add3A_74] : memref<401408xi32, #tpu.memory_space<hbm>> -> memref<6272xi32, #tpu.memory_space<hbm>>
      tpu.wait_dma2 semaphore(%run_scoped3A : memref<!tpu.dma_semaphore, #tpu.memory_space<semaphore_mem>>) src(%dma_wait3A_113 : memref<6272xi32, #tpu.memory_space<hbm>>) dst(%arg7 : memref<6272xi32, #tpu.memory_space<vmem>>)
      tpu.yield
    }) : () -> ()
    "tpu.region"() ({
      %run_scoped3A = tpu.sem_alloc : memref<!tpu.dma_semaphore, #tpu.memory_space<semaphore_mem>>
      %dma_start3A = tpu.memref_slice %arg4[%add3A_74] : memref<401408xi32, #tpu.memory_space<hbm>> -> memref<6272xi32, #tpu.memory_space<hbm>>
      %dma_start3A_112 = tpu.memref_slice %arg4[%add3A_74] : memref<401408xi32, #tpu.memory_space<hbm>> -> memref<6272xi32, #tpu.memory_space<hbm>>
      tpu.enqueue_dma source(%dma_start3A_112 : memref<6272xi32, #tpu.memory_space<hbm>>) target(%arg8 : memref<6272xi32, #tpu.memory_space<vmem>>) target_semaphore(%run_scoped3A : memref<!tpu.dma_semaphore, #tpu.memory_space<semaphore_mem>>)
      %dma_wait3A = tpu.memref_slice %arg4[%add3A_74] : memref<401408xi32, #tpu.memory_space<hbm>> -> memref<6272xi32, #tpu.memory_space<hbm>>
      %dma_wait3A_113 = tpu.memref_slice %arg4[%add3A_74] : memref<401408xi32, #tpu.memory_space<hbm>> -> memref<6272xi32, #tpu.memory_space<hbm>>
      tpu.wait_dma2 semaphore(%run_scoped3A : memref<!tpu.dma_semaphore, #tpu.memory_space<semaphore_mem>>) src(%dma_wait3A_113 : memref<6272xi32, #tpu.memory_space<hbm>>) dst(%arg8 : memref<6272xi32, #tpu.memory_space<vmem>>)
      tpu.yield
    }) : () -> ()
    %scan3A_75 = arith.constant 0 : i32
    %scan3A_76 = arith.constant 49 : i32
    %scan3A_77 = arith.addi %scan3A_75, %scan3A_76 : i32
    %scan3A_78 = arith.constant 1 : i32
    scf.for %scan3A_112 = %scan3A_75 to %scan3A_77 step %scan3A_78  : i32 {
      %mul3A_113 = arith.constant 1 : i32
      %mul3A_114 = arith.muli %scan3A_112, %mul3A_113 : i32
      %add3A_115 = arith.constant 0 : i32
      %add3A_116 = arith.addi %add3A_115, %mul3A_114 : i32
      %mul3A_117 = arith.constant 128 : i32
      %mul3A_118 = arith.muli %add3A_116, %mul3A_117 : i32
      %add3A_119 = arith.constant 0 : i32
      %add3A_120 = arith.addi %mul3A_118, %add3A_119 : i32
      %get3A = arith.index_cast %add3A_120 : i32 to index
      %get3A_121 = tpu.vector_load %arg7[%get3A] {strides = array<i32>} : memref<6272xi32, #tpu.memory_space<vmem>>, vector<16xi32>,
      %get3A_122 = vector.shape_cast %get3A_121 : vector<16xi32> to vector<16xi32>
      %get3A_123 = arith.index_cast %add3A_120 : i32 to index
      %get3A_124 = tpu.vector_load %arg8[%get3A_123] {strides = array<i32>} : memref<6272xi32, #tpu.memory_space<vmem>>, vector<16xi32>,
      %get3A_125 = vector.shape_cast %get3A_124 : vector<16xi32> to vector<16xi32>
      %max3A = arith.constant 0 : i32
      %max3A_126 = vector.broadcast %max3A : i32 to vector<16xi32>
      %max3A_127 = arith.maxsi %get3A_122, %max3A_126 : vector<16xi32>
      %min3A = arith.constant 511 : i32
      %min3A_128 = vector.broadcast %min3A : i32 to vector<16xi32>
      %min3A_129 = arith.minsi %max3A_127, %min3A_128 : vector<16xi32>
      %max3A_130 = arith.constant 0 : i32
      %max3A_131 = vector.broadcast %max3A_130 : i32 to vector<16xi32>
      %max3A_132 = arith.maxsi %get3A_125, %max3A_131 : vector<16xi32>
      %min3A_133 = arith.constant 511 : i32
      %min3A_134 = vector.broadcast %min3A_133 : i32 to vector<16xi32>
      %min3A_135 = arith.minsi %max3A_132, %min3A_134 : vector<16xi32>
      %mul3A_136 = arith.constant 512 : i32
      %mul3A_137 = vector.broadcast %mul3A_136 : i32 to vector<16xi32>
      %mul3A_138 = arith.muli %min3A_129, %mul3A_137 : vector<16xi32>
      %add3A_139 = arith.addi %mul3A_138, %min3A_135 : vector<16xi32>
      %add3A_140 = arith.constant 0 : i32
      %add3A_141 = vector.broadcast %add3A_140 : i32 to vector<16xi32>
      %add3A_142 = arith.addi %add3A_139, %add3A_141 : vector<16xi32>
      %swap3A = arith.constant 0 : i32
      %swap3A_143 = arith.index_cast %swap3A : i32 to index
      %swap3A_144 = arith.index_cast %add3A_116 : i32 to index
      %swap3A_145 = arith.constant 0 : index
      %swap3A_146 = tpu.vector_load %arg10[%swap3A_143, %swap3A_144, %swap3A_145] {strides = array<i32>} : memref<2x49x128xi32, #tpu.memory_space<vmem>>, vector<1x1x16xi32>,
      %swap3A_147 = vector.shape_cast %swap3A_146 : vector<1x1x16xi32> to vector<16xi32>
      %swap3A_148 = vector.shape_cast %add3A_142 : vector<16xi32> to vector<1x1x16xi32>
      tpu.vector_store %arg10[%swap3A_143, %swap3A_144, %swap3A_145], %swap3A_148 {strides = array<i32>} : memref<2x49x128xi32, #tpu.memory_space<vmem>>, vector<1x1x16xi32>,
      %get3A_149 = arith.index_cast %add3A_120 : i32 to index
      %get3A_150 = tpu.vector_load %arg6[%get3A_149] {strides = array<i32>} : memref<6272xf32, #tpu.memory_space<vmem>>, vector<16xf32>,
      %get3A_151 = vector.shape_cast %get3A_150 : vector<16xf32> to vector<16xf32>
      %neg3A = arith.constant 0.000000e+00 : f32
      %neg3A_152 = vector.broadcast %neg3A : f32 to vector<16xf32>
      %neg3A_153 = arith.subf %neg3A_152, %get3A_151 : vector<16xf32>
      %exp3A = math.exp %neg3A_153 : vector<16xf32>
      %add3A_154 = arith.constant 1.000000e+00 : f32
      %add3A_155 = vector.broadcast %add3A_154 : f32 to vector<16xf32>
      %add3A_156 = arith.addf %add3A_155, %exp3A : vector<16xf32>
      %div3A = arith.constant 1.000000e+00 : f32
      %div3A_157 = vector.broadcast %div3A : f32 to vector<16xf32>
      %div3A_158 = arith.divf %div3A_157, %add3A_156 : vector<16xf32>
      %swap3A_159 = arith.constant 0 : i32
      %swap3A_160 = arith.index_cast %swap3A_159 : i32 to index
      %swap3A_161 = arith.index_cast %add3A_116 : i32 to index
      %swap3A_162 = arith.constant 0 : index
      %swap3A_163 = tpu.vector_load %arg9[%swap3A_160, %swap3A_161, %swap3A_162] {strides = array<i32>} : memref<2x49x128xf32, #tpu.memory_space<vmem>>, vector<1x1x16xf32>,
      %swap3A_164 = vector.shape_cast %swap3A_163 : vector<1x1x16xf32> to vector<16xf32>
      %swap3A_165 = vector.shape_cast %div3A_158 : vector<16xf32> to vector<1x1x16xf32>
      tpu.vector_store %arg9[%swap3A_160, %swap3A_161, %swap3A_162], %swap3A_165 {strides = array<i32>} : memref<2x49x128xf32, #tpu.memory_space<vmem>>, vector<1x1x16xf32>,
      %mul3A_166 = arith.constant 128 : i32
      %mul3A_167 = arith.muli %add3A_116, %mul3A_166 : i32
      %add3A_168 = arith.constant 16 : i32
      %add3A_169 = arith.addi %mul3A_167, %add3A_168 : i32
      %get3A_170 = arith.index_cast %add3A_169 : i32 to index
      %get3A_171 = tpu.vector_load %arg7[%get3A_170] {strides = array<i32>} : memref<6272xi32, #tpu.memory_space<vmem>>, vector<16xi32>,
      %get3A_172 = vector.shape_cast %get3A_171 : vector<16xi32> to vector<16xi32>
      %get3A_173 = arith.index_cast %add3A_169 : i32 to index
      %get3A_174 = tpu.vector_load %arg8[%get3A_173] {strides = array<i32>} : memref<6272xi32, #tpu.memory_space<vmem>>, vector<16xi32>,
      %get3A_175 = vector.shape_cast %get3A_174 : vector<16xi32> to vector<16xi32>
      %max3A_176 = arith.constant 0 : i32
      %max3A_177 = vector.broadcast %max3A_176 : i32 to vector<16xi32>
      %max3A_178 = arith.maxsi %get3A_172, %max3A_177 : vector<16xi32>
      %min3A_179 = arith.constant 511 : i32
      %min3A_180 = vector.broadcast %min3A_179 : i32 to vector<16xi32>
      %min3A_181 = arith.minsi %max3A_178, %min3A_180 : vector<16xi32>
      %max3A_182 = arith.constant 0 : i32
      %max3A_183 = vector.broadcast %max3A_182 : i32 to vector<16xi32>
      %max3A_184 = arith.maxsi %get3A_175, %max3A_183 : vector<16xi32>
      %min3A_185 = arith.constant 511 : i32
      %min3A_186 = vector.broadcast %min3A_185 : i32 to vector<16xi32>
      %min3A_187 = arith.minsi %max3A_184, %min3A_186 : vector<16xi32>
      %mul3A_188 = arith.constant 512 : i32
      %mul3A_189 = vector.broadcast %mul3A_188 : i32 to vector<16xi32>
      %mul3A_190 = arith.muli %min3A_181, %mul3A_189 : vector<16xi32>
      %add3A_191 = arith.addi %mul3A_190, %min3A_187 : vector<16xi32>
      %add3A_192 = arith.constant 0 : i32
      %add3A_193 = vector.broadcast %add3A_192 : i32 to vector<16xi32>
      %add3A_194 = arith.addi %add3A_191, %add3A_193 : vector<16xi32>
      %swap3A_195 = arith.constant 0 : i32
      %swap3A_196 = arith.index_cast %swap3A_195 : i32 to index
      %swap3A_197 = arith.index_cast %add3A_116 : i32 to index
      %swap3A_198 = arith.constant 16 : index
      %swap3A_199 = tpu.vector_load %arg10[%swap3A_196, %swap3A_197, %swap3A_198] {strides = array<i32>} : memref<2x49x128xi32, #tpu.memory_space<vmem>>, vector<1x1x16xi32>,
      %swap3A_200 = vector.shape_cast %swap3A_199 : vector<1x1x16xi32> to vector<16xi32>
      %swap3A_201 = vector.shape_cast %add3A_194 : vector<16xi32> to vector<1x1x16xi32>
      tpu.vector_store %arg10[%swap3A_196, %swap3A_197, %swap3A_198], %swap3A_201 {strides = array<i32>} : memref<2x49x128xi32, #tpu.memory_space<vmem>>, vector<1x1x16xi32>,
      %get3A_202 = arith.index_cast %add3A_169 : i32 to index
      %get3A_203 = tpu.vector_load %arg6[%get3A_202] {strides = array<i32>} : memref<6272xf32, #tpu.memory_space<vmem>>, vector<16xf32>,
      %get3A_204 = vector.shape_cast %get3A_203 : vector<16xf32> to vector<16xf32>
      %neg3A_205 = arith.constant 0.000000e+00 : f32
      %neg3A_206 = vector.broadcast %neg3A_205 : f32 to vector<16xf32>
      %neg3A_207 = arith.subf %neg3A_206, %get3A_204 : vector<16xf32>
      %exp3A_208 = math.exp %neg3A_207 : vector<16xf32>
      %add3A_209 = arith.constant 1.000000e+00 : f32
      %add3A_210 = vector.broadcast %add3A_209 : f32 to vector<16xf32>
      %add3A_211 = arith.addf %add3A_210, %exp3A_208 : vector<16xf32>
      %div3A_212 = arith.constant 1.000000e+00 : f32
      %div3A_213 = vector.broadcast %div3A_212 : f32 to vector<16xf32>
      %div3A_214 = arith.divf %div3A_213, %add3A_211 : vector<16xf32>
      %swap3A_215 = arith.constant 0 : i32
      %swap3A_216 = arith.index_cast %swap3A_215 : i32 to index
      %swap3A_217 = arith.index_cast %add3A_116 : i32 to index
      %swap3A_218 = arith.constant 16 : index
      %swap3A_219 = tpu.vector_load %arg9[%swap3A_216, %swap3A_217, %swap3A_218] {strides = array<i32>} : memref<2x49x128xf32, #tpu.memory_space<vmem>>, vector<1x1x16xf32>,
      %swap3A_220 = vector.shape_cast %swap3A_219 : vector<1x1x16xf32> to vector<16xf32>
      %swap3A_221 = vector.shape_cast %div3A_214 : vector<16xf32> to vector<1x1x16xf32>
      tpu.vector_store %arg9[%swap3A_216, %swap3A_217, %swap3A_218], %swap3A_221 {strides = array<i32>} : memref<2x49x128xf32, #tpu.memory_space<vmem>>, vector<1x1x16xf32>,
      %mul3A_222 = arith.constant 128 : i32
      %mul3A_223 = arith.muli %add3A_116, %mul3A_222 : i32
      %add3A_224 = arith.constant 32 : i32
      %add3A_225 = arith.addi %mul3A_223, %add3A_224 : i32
      %get3A_226 = arith.index_cast %add3A_225 : i32 to index
      %get3A_227 = tpu.vector_load %arg7[%get3A_226] {strides = array<i32>} : memref<6272xi32, #tpu.memory_space<vmem>>, vector<16xi32>,
      %get3A_228 = vector.shape_cast %get3A_227 : vector<16xi32> to vector<16xi32>
      %get3A_229 = arith.index_cast %add3A_225 : i32 to index
      %get3A_230 = tpu.vector_load %arg8[%get3A_229] {strides = array<i32>} : memref<6272xi32, #tpu.memory_space<vmem>>, vector<16xi32>,
      %get3A_231 = vector.shape_cast %get3A_230 : vector<16xi32> to vector<16xi32>
      %max3A_232 = arith.constant 0 : i32
      %max3A_233 = vector.broadcast %max3A_232 : i32 to vector<16xi32>
      %max3A_234 = arith.maxsi %get3A_228, %max3A_233 : vector<16xi32>
      %min3A_235 = arith.constant 511 : i32
      %min3A_236 = vector.broadcast %min3A_235 : i32 to vector<16xi32>
      %min3A_237 = arith.minsi %max3A_234, %min3A_236 : vector<16xi32>
      %max3A_238 = arith.constant 0 : i32
      %max3A_239 = vector.broadcast %max3A_238 : i32 to vector<16xi32>
      %max3A_240 = arith.maxsi %get3A_231, %max3A_239 : vector<16xi32>
      %min3A_241 = arith.constant 511 : i32
      %min3A_242 = vector.broadcast %min3A_241 : i32 to vector<16xi32>
      %min3A_243 = arith.minsi %max3A_240, %min3A_242 : vector<16xi32>
      %mul3A_244 = arith.constant 512 : i32
      %mul3A_245 = vector.broadcast %mul3A_244 : i32 to vector<16xi32>
      %mul3A_246 = arith.muli %min3A_237, %mul3A_245 : vector<16xi32>
      %add3A_247 = arith.addi %mul3A_246, %min3A_243 : vector<16xi32>
      %add3A_248 = arith.constant 0 : i32
      %add3A_249 = vector.broadcast %add3A_248 : i32 to vector<16xi32>
      %add3A_250 = arith.addi %add3A_247, %add3A_249 : vector<16xi32>
      %swap3A_251 = arith.constant 0 : i32
      %swap3A_252 = arith.index_cast %swap3A_251 : i32 to index
      %swap3A_253 = arith.index_cast %add3A_116 : i32 to index
      %swap3A_254 = arith.constant 32 : index
      %swap3A_255 = tpu.vector_load %arg10[%swap3A_252, %swap3A_253, %swap3A_254] {strides = array<i32>} : memref<2x49x128xi32, #tpu.memory_space<vmem>>, vector<1x1x16xi32>,
      %swap3A_256 = vector.shape_cast %swap3A_255 : vector<1x1x16xi32> to vector<16xi32>
      %swap3A_257 = vector.shape_cast %add3A_250 : vector<16xi32> to vector<1x1x16xi32>
      tpu.vector_store %arg10[%swap3A_252, %swap3A_253, %swap3A_254], %swap3A_257 {strides = array<i32>} : memref<2x49x128xi32, #tpu.memory_space<vmem>>, vector<1x1x16xi32>,
      %get3A_258 = arith.index_cast %add3A_225 : i32 to index
      %get3A_259 = tpu.vector_load %arg6[%get3A_258] {strides = array<i32>} : memref<6272xf32, #tpu.memory_space<vmem>>, vector<16xf32>,
      %get3A_260 = vector.shape_cast %get3A_259 : vector<16xf32> to vector<16xf32>
      %neg3A_261 = arith.constant 0.000000e+00 : f32
      %neg3A_262 = vector.broadcast %neg3A_261 : f32 to vector<16xf32>
      %neg3A_263 = arith.subf %neg3A_262, %get3A_260 : vector<16xf32>
      %exp3A_264 = math.exp %neg3A_263 : vector<16xf32>
      %add3A_265 = arith.constant 1.000000e+00 : f32
      %add3A_266 = vector.broadcast %add3A_265 : f32 to vector<16xf32>
      %add3A_267 = arith.addf %add3A_266, %exp3A_264 : vector<16xf32>
      %div3A_268 = arith.constant 1.000000e+00 : f32
      %div3A_269 = vector.broadcast %div3A_268 : f32 to vector<16xf32>
      %div3A_270 = arith.divf %div3A_269, %add3A_267 : vector<16xf32>
      %swap3A_271 = arith.constant 0 : i32
      %swap3A_272 = arith.index_cast %swap3A_271 : i32 to index
      %swap3A_273 = arith.index_cast %add3A_116 : i32 to index
      %swap3A_274 = arith.constant 32 : index
      %swap3A_275 = tpu.vector_load %arg9[%swap3A_272, %swap3A_273, %swap3A_274] {strides = array<i32>} : memref<2x49x128xf32, #tpu.memory_space<vmem>>, vector<1x1x16xf32>,
      %swap3A_276 = vector.shape_cast %swap3A_275 : vector<1x1x16xf32> to vector<16xf32>
      %swap3A_277 = vector.shape_cast %div3A_270 : vector<16xf32> to vector<1x1x16xf32>
      tpu.vector_store %arg9[%swap3A_272, %swap3A_273, %swap3A_274], %swap3A_277 {strides = array<i32>} : memref<2x49x128xf32, #tpu.memory_space<vmem>>, vector<1x1x16xf32>,
      %mul3A_278 = arith.constant 128 : i32
      %mul3A_279 = arith.muli %add3A_116, %mul3A_278 : i32
      %add3A_280 = arith.constant 48 : i32
      %add3A_281 = arith.addi %mul3A_279, %add3A_280 : i32
      %get3A_282 = arith.index_cast %add3A_281 : i32 to index
      %get3A_283 = tpu.vector_load %arg7[%get3A_282] {strides = array<i32>} : memref<6272xi32, #tpu.memory_space<vmem>>, vector<16xi32>,
      %get3A_284 = vector.shape_cast %get3A_283 : vector<16xi32> to vector<16xi32>
      %get3A_285 = arith.index_cast %add3A_281 : i32 to index
      %get3A_286 = tpu.vector_load %arg8[%get3A_285] {strides = array<i32>} : memref<6272xi32, #tpu.memory_space<vmem>>, vector<16xi32>,
      %get3A_287 = vector.shape_cast %get3A_286 : vector<16xi32> to vector<16xi32>
      %max3A_288 = arith.constant 0 : i32
      %max3A_289 = vector.broadcast %max3A_288 : i32 to vector<16xi32>
      %max3A_290 = arith.maxsi %get3A_284, %max3A_289 : vector<16xi32>
      %min3A_291 = arith.constant 511 : i32
      %min3A_292 = vector.broadcast %min3A_291 : i32 to vector<16xi32>
      %min3A_293 = arith.minsi %max3A_290, %min3A_292 : vector<16xi32>
      %max3A_294 = arith.constant 0 : i32
      %max3A_295 = vector.broadcast %max3A_294 : i32 to vector<16xi32>
      %max3A_296 = arith.maxsi %get3A_287, %max3A_295 : vector<16xi32>
      %min3A_297 = arith.constant 511 : i32
      %min3A_298 = vector.broadcast %min3A_297 : i32 to vector<16xi32>
      %min3A_299 = arith.minsi %max3A_296, %min3A_298 : vector<16xi32>
      %mul3A_300 = arith.constant 512 : i32
      %mul3A_301 = vector.broadcast %mul3A_300 : i32 to vector<16xi32>
      %mul3A_302 = arith.muli %min3A_293, %mul3A_301 : vector<16xi32>
      %add3A_303 = arith.addi %mul3A_302, %min3A_299 : vector<16xi32>
      %add3A_304 = arith.constant 0 : i32
      %add3A_305 = vector.broadcast %add3A_304 : i32 to vector<16xi32>
      %add3A_306 = arith.addi %add3A_303, %add3A_305 : vector<16xi32>
      %swap3A_307 = arith.constant 0 : i32
      %swap3A_308 = arith.index_cast %swap3A_307 : i32 to index
      %swap3A_309 = arith.index_cast %add3A_116 : i32 to index
      %swap3A_310 = arith.constant 48 : index
      %swap3A_311 = tpu.vector_load %arg10[%swap3A_308, %swap3A_309, %swap3A_310] {strides = array<i32>} : memref<2x49x128xi32, #tpu.memory_space<vmem>>, vector<1x1x16xi32>,
      %swap3A_312 = vector.shape_cast %swap3A_311 : vector<1x1x16xi32> to vector<16xi32>
      %swap3A_313 = vector.shape_cast %add3A_306 : vector<16xi32> to vector<1x1x16xi32>
      tpu.vector_store %arg10[%swap3A_308, %swap3A_309, %swap3A_310], %swap3A_313 {strides = array<i32>} : memref<2x49x128xi32, #tpu.memory_space<vmem>>, vector<1x1x16xi32>,
      %get3A_314 = arith.index_cast %add3A_281 : i32 to index
      %get3A_315 = tpu.vector_load %arg6[%get3A_314] {strides = array<i32>} : memref<6272xf32, #tpu.memory_space<vmem>>, vector<16xf32>,
      %get3A_316 = vector.shape_cast %get3A_315 : vector<16xf32> to vector<16xf32>
      %neg3A_317 = arith.constant 0.000000e+00 : f32
      %neg3A_318 = vector.broadcast %neg3A_317 : f32 to vector<16xf32>
      %neg3A_319 = arith.subf %neg3A_318, %get3A_316 : vector<16xf32>
      %exp3A_320 = math.exp %neg3A_319 : vector<16xf32>
      %add3A_321 = arith.constant 1.000000e+00 : f32
      %add3A_322 = vector.broadcast %add3A_321 : f32 to vector<16xf32>
      %add3A_323 = arith.addf %add3A_322, %exp3A_320 : vector<16xf32>
      %div3A_324 = arith.constant 1.000000e+00 : f32
      %div3A_325 = vector.broadcast %div3A_324 : f32 to vector<16xf32>
      %div3A_326 = arith.divf %div3A_325, %add3A_323 : vector<16xf32>
      %swap3A_327 = arith.constant 0 : i32
      %swap3A_328 = arith.index_cast %swap3A_327 : i32 to index
      %swap3A_329 = arith.index_cast %add3A_116 : i32 to index
      %swap3A_330 = arith.constant 48 : index
      %swap3A_331 = tpu.vector_load %arg9[%swap3A_328, %swap3A_329, %swap3A_330] {strides = array<i32>} : memref<2x49x128xf32, #tpu.memory_space<vmem>>, vector<1x1x16xf32>,
      %swap3A_332 = vector.shape_cast %swap3A_331 : vector<1x1x16xf32> to vector<16xf32>
      %swap3A_333 = vector.shape_cast %div3A_326 : vector<16xf32> to vector<1x1x16xf32>
      tpu.vector_store %arg9[%swap3A_328, %swap3A_329, %swap3A_330], %swap3A_333 {strides = array<i32>} : memref<2x49x128xf32, #tpu.memory_space<vmem>>, vector<1x1x16xf32>,
      %mul3A_334 = arith.constant 128 : i32
      %mul3A_335 = arith.muli %add3A_116, %mul3A_334 : i32
      %add3A_336 = arith.constant 64 : i32
      %add3A_337 = arith.addi %mul3A_335, %add3A_336 : i32
      %get3A_338 = arith.index_cast %add3A_337 : i32 to index
      %get3A_339 = tpu.vector_load %arg7[%get3A_338] {strides = array<i32>} : memref<6272xi32, #tpu.memory_space<vmem>>, vector<16xi32>,
      %get3A_340 = vector.shape_cast %get3A_339 : vector<16xi32> to vector<16xi32>
      %get3A_341 = arith.index_cast %add3A_337 : i32 to index
      %get3A_342 = tpu.vector_load %arg8[%get3A_341] {strides = array<i32>} : memref<6272xi32, #tpu.memory_space<vmem>>, vector<16xi32>,
      %get3A_343 = vector.shape_cast %get3A_342 : vector<16xi32> to vector<16xi32>
      %max3A_344 = arith.constant 0 : i32
      %max3A_345 = vector.broadcast %max3A_344 : i32 to vector<16xi32>
      %max3A_346 = arith.maxsi %get3A_340, %max3A_345 : vector<16xi32>
      %min3A_347 = arith.constant 511 : i32
      %min3A_348 = vector.broadcast %min3A_347 : i32 to vector<16xi32>
      %min3A_349 = arith.minsi %max3A_346, %min3A_348 : vector<16xi32>
      %max3A_350 = arith.constant 0 : i32
      %max3A_351 = vector.broadcast %max3A_350 : i32 to vector<16xi32>
      %max3A_352 = arith.maxsi %get3A_343, %max3A_351 : vector<16xi32>
      %min3A_353 = arith.constant 511 : i32
      %min3A_354 = vector.broadcast %min3A_353 : i32 to vector<16xi32>
      %min3A_355 = arith.minsi %max3A_352, %min3A_354 : vector<16xi32>
      %mul3A_356 = arith.constant 512 : i32
      %mul3A_357 = vector.broadcast %mul3A_356 : i32 to vector<16xi32>
      %mul3A_358 = arith.muli %min3A_349, %mul3A_357 : vector<16xi32>
      %add3A_359 = arith.addi %mul3A_358, %min3A_355 : vector<16xi32>
      %add3A_360 = arith.constant 0 : i32
      %add3A_361 = vector.broadcast %add3A_360 : i32 to vector<16xi32>
      %add3A_362 = arith.addi %add3A_359, %add3A_361 : vector<16xi32>
      %swap3A_363 = arith.constant 0 : i32
      %swap3A_364 = arith.index_cast %swap3A_363 : i32 to index
      %swap3A_365 = arith.index_cast %add3A_116 : i32 to index
      %swap3A_366 = arith.constant 64 : index
      %swap3A_367 = tpu.vector_load %arg10[%swap3A_364, %swap3A_365, %swap3A_366] {strides = array<i32>} : memref<2x49x128xi32, #tpu.memory_space<vmem>>, vector<1x1x16xi32>,
      %swap3A_368 = vector.shape_cast %swap3A_367 : vector<1x1x16xi32> to vector<16xi32>
      %swap3A_369 = vector.shape_cast %add3A_362 : vector<16xi32> to vector<1x1x16xi32>
      tpu.vector_store %arg10[%swap3A_364, %swap3A_365, %swap3A_366], %swap3A_369 {strides = array<i32>} : memref<2x49x128xi32, #tpu.memory_space<vmem>>, vector<1x1x16xi32>,
      %get3A_370 = arith.index_cast %add3A_337 : i32 to index
      %get3A_371 = tpu.vector_load %arg6[%get3A_370] {strides = array<i32>} : memref<6272xf32, #tpu.memory_space<vmem>>, vector<16xf32>,
      %get3A_372 = vector.shape_cast %get3A_371 : vector<16xf32> to vector<16xf32>
      %neg3A_373 = arith.constant 0.000000e+00 : f32
      %neg3A_374 = vector.broadcast %neg3A_373 : f32 to vector<16xf32>
      %neg3A_375 = arith.subf %neg3A_374, %get3A_372 : vector<16xf32>
      %exp3A_376 = math.exp %neg3A_375 : vector<16xf32>
      %add3A_377 = arith.constant 1.000000e+00 : f32
      %add3A_378 = vector.broadcast %add3A_377 : f32 to vector<16xf32>
      %add3A_379 = arith.addf %add3A_378, %exp3A_376 : vector<16xf32>
      %div3A_380 = arith.constant 1.000000e+00 : f32
      %div3A_381 = vector.broadcast %div3A_380 : f32 to vector<16xf32>
      %div3A_382 = arith.divf %div3A_381, %add3A_379 : vector<16xf32>
      %swap3A_383 = arith.constant 0 : i32
      %swap3A_384 = arith.index_cast %swap3A_383 : i32 to index
      %swap3A_385 = arith.index_cast %add3A_116 : i32 to index
      %swap3A_386 = arith.constant 64 : index
      %swap3A_387 = tpu.vector_load %arg9[%swap3A_384, %swap3A_385, %swap3A_386] {strides = array<i32>} : memref<2x49x128xf32, #tpu.memory_space<vmem>>, vector<1x1x16xf32>,
      %swap3A_388 = vector.shape_cast %swap3A_387 : vector<1x1x16xf32> to vector<16xf32>
      %swap3A_389 = vector.shape_cast %div3A_382 : vector<16xf32> to vector<1x1x16xf32>
      tpu.vector_store %arg9[%swap3A_384, %swap3A_385, %swap3A_386], %swap3A_389 {strides = array<i32>} : memref<2x49x128xf32, #tpu.memory_space<vmem>>, vector<1x1x16xf32>,
      %mul3A_390 = arith.constant 128 : i32
      %mul3A_391 = arith.muli %add3A_116, %mul3A_390 : i32
      %add3A_392 = arith.constant 80 : i32
      %add3A_393 = arith.addi %mul3A_391, %add3A_392 : i32
      %get3A_394 = arith.index_cast %add3A_393 : i32 to index
      %get3A_395 = tpu.vector_load %arg7[%get3A_394] {strides = array<i32>} : memref<6272xi32, #tpu.memory_space<vmem>>, vector<16xi32>,
      %get3A_396 = vector.shape_cast %get3A_395 : vector<16xi32> to vector<16xi32>
      %get3A_397 = arith.index_cast %add3A_393 : i32 to index
      %get3A_398 = tpu.vector_load %arg8[%get3A_397] {strides = array<i32>} : memref<6272xi32, #tpu.memory_space<vmem>>, vector<16xi32>,
      %get3A_399 = vector.shape_cast %get3A_398 : vector<16xi32> to vector<16xi32>
      %max3A_400 = arith.constant 0 : i32
      %max3A_401 = vector.broadcast %max3A_400 : i32 to vector<16xi32>
      %max3A_402 = arith.maxsi %get3A_396, %max3A_401 : vector<16xi32>
      %min3A_403 = arith.constant 511 : i32
      %min3A_404 = vector.broadcast %min3A_403 : i32 to vector<16xi32>
      %min3A_405 = arith.minsi %max3A_402, %min3A_404 : vector<16xi32>
      %max3A_406 = arith.constant 0 : i32
      %max3A_407 = vector.broadcast %max3A_406 : i32 to vector<16xi32>
      %max3A_408 = arith.maxsi %get3A_399, %max3A_407 : vector<16xi32>
      %min3A_409 = arith.constant 511 : i32
      %min3A_410 = vector.broadcast %min3A_409 : i32 to vector<16xi32>
      %min3A_411 = arith.minsi %max3A_408, %min3A_410 : vector<16xi32>
      %mul3A_412 = arith.constant 512 : i32
      %mul3A_413 = vector.broadcast %mul3A_412 : i32 to vector<16xi32>
      %mul3A_414 = arith.muli %min3A_405, %mul3A_413 : vector<16xi32>
      %add3A_415 = arith.addi %mul3A_414, %min3A_411 : vector<16xi32>
      %add3A_416 = arith.constant 0 : i32
      %add3A_417 = vector.broadcast %add3A_416 : i32 to vector<16xi32>
      %add3A_418 = arith.addi %add3A_415, %add3A_417 : vector<16xi32>
      %swap3A_419 = arith.constant 0 : i32
      %swap3A_420 = arith.index_cast %swap3A_419 : i32 to index
      %swap3A_421 = arith.index_cast %add3A_116 : i32 to index
      %swap3A_422 = arith.constant 80 : index
      %swap3A_423 = tpu.vector_load %arg10[%swap3A_420, %swap3A_421, %swap3A_422] {strides = array<i32>} : memref<2x49x128xi32, #tpu.memory_space<vmem>>, vector<1x1x16xi32>,
      %swap3A_424 = vector.shape_cast %swap3A_423 : vector<1x1x16xi32> to vector<16xi32>
      %swap3A_425 = vector.shape_cast %add3A_418 : vector<16xi32> to vector<1x1x16xi32>
      tpu.vector_store %arg10[%swap3A_420, %swap3A_421, %swap3A_422], %swap3A_425 {strides = array<i32>} : memref<2x49x128xi32, #tpu.memory_space<vmem>>, vector<1x1x16xi32>,
      %get3A_426 = arith.index_cast %add3A_393 : i32 to index
      %get3A_427 = tpu.vector_load %arg6[%get3A_426] {strides = array<i32>} : memref<6272xf32, #tpu.memory_space<vmem>>, vector<16xf32>,
      %get3A_428 = vector.shape_cast %get3A_427 : vector<16xf32> to vector<16xf32>
      %neg3A_429 = arith.constant 0.000000e+00 : f32
      %neg3A_430 = vector.broadcast %neg3A_429 : f32 to vector<16xf32>
      %neg3A_431 = arith.subf %neg3A_430, %get3A_428 : vector<16xf32>
      %exp3A_432 = math.exp %neg3A_431 : vector<16xf32>
      %add3A_433 = arith.constant 1.000000e+00 : f32
      %add3A_434 = vector.broadcast %add3A_433 : f32 to vector<16xf32>
      %add3A_435 = arith.addf %add3A_434, %exp3A_432 : vector<16xf32>
      %div3A_436 = arith.constant 1.000000e+00 : f32
      %div3A_437 = vector.broadcast %div3A_436 : f32 to vector<16xf32>
      %div3A_438 = arith.divf %div3A_437, %add3A_435 : vector<16xf32>
      %swap3A_439 = arith.constant 0 : i32
      %swap3A_440 = arith.index_cast %swap3A_439 : i32 to index
      %swap3A_441 = arith.index_cast %add3A_116 : i32 to index
      %swap3A_442 = arith.constant 80 : index
      %swap3A_443 = tpu.vector_load %arg9[%swap3A_440, %swap3A_441, %swap3A_442] {strides = array<i32>} : memref<2x49x128xf32, #tpu.memory_space<vmem>>, vector<1x1x16xf32>,
      %swap3A_444 = vector.shape_cast %swap3A_443 : vector<1x1x16xf32> to vector<16xf32>
      %swap3A_445 = vector.shape_cast %div3A_438 : vector<16xf32> to vector<1x1x16xf32>
      tpu.vector_store %arg9[%swap3A_440, %swap3A_441, %swap3A_442], %swap3A_445 {strides = array<i32>} : memref<2x49x128xf32, #tpu.memory_space<vmem>>, vector<1x1x16xf32>,
      %mul3A_446 = arith.constant 128 : i32
      %mul3A_447 = arith.muli %add3A_116, %mul3A_446 : i32
      %add3A_448 = arith.constant 96 : i32
      %add3A_449 = arith.addi %mul3A_447, %add3A_448 : i32
      %get3A_450 = arith.index_cast %add3A_449 : i32 to index
      %get3A_451 = tpu.vector_load %arg7[%get3A_450] {strides = array<i32>} : memref<6272xi32, #tpu.memory_space<vmem>>, vector<16xi32>,
      %get3A_452 = vector.shape_cast %get3A_451 : vector<16xi32> to vector<16xi32>
      %get3A_453 = arith.index_cast %add3A_449 : i32 to index
      %get3A_454 = tpu.vector_load %arg8[%get3A_453] {strides = array<i32>} : memref<6272xi32, #tpu.memory_space<vmem>>, vector<16xi32>,
      %get3A_455 = vector.shape_cast %get3A_454 : vector<16xi32> to vector<16xi32>
      %max3A_456 = arith.constant 0 : i32
      %max3A_457 = vector.broadcast %max3A_456 : i32 to vector<16xi32>
      %max3A_458 = arith.maxsi %get3A_452, %max3A_457 : vector<16xi32>
      %min3A_459 = arith.constant 511 : i32
      %min3A_460 = vector.broadcast %min3A_459 : i32 to vector<16xi32>
      %min3A_461 = arith.minsi %max3A_458, %min3A_460 : vector<16xi32>
      %max3A_462 = arith.constant 0 : i32
      %max3A_463 = vector.broadcast %max3A_462 : i32 to vector<16xi32>
      %max3A_464 = arith.maxsi %get3A_455, %max3A_463 : vector<16xi32>
      %min3A_465 = arith.constant 511 : i32
      %min3A_466 = vector.broadcast %min3A_465 : i32 to vector<16xi32>
      %min3A_467 = arith.minsi %max3A_464, %min3A_466 : vector<16xi32>
      %mul3A_468 = arith.constant 512 : i32
      %mul3A_469 = vector.broadcast %mul3A_468 : i32 to vector<16xi32>
      %mul3A_470 = arith.muli %min3A_461, %mul3A_469 : vector<16xi32>
      %add3A_471 = arith.addi %mul3A_470, %min3A_467 : vector<16xi32>
      %add3A_472 = arith.constant 0 : i32
      %add3A_473 = vector.broadcast %add3A_472 : i32 to vector<16xi32>
      %add3A_474 = arith.addi %add3A_471, %add3A_473 : vector<16xi32>
      %swap3A_475 = arith.constant 0 : i32
      %swap3A_476 = arith.index_cast %swap3A_475 : i32 to index
      %swap3A_477 = arith.index_cast %add3A_116 : i32 to index
      %swap3A_478 = arith.constant 96 : index
      %swap3A_479 = tpu.vector_load %arg10[%swap3A_476, %swap3A_477, %swap3A_478] {strides = array<i32>} : memref<2x49x128xi32, #tpu.memory_space<vmem>>, vector<1x1x16xi32>,
      %swap3A_480 = vector.shape_cast %swap3A_479 : vector<1x1x16xi32> to vector<16xi32>
      %swap3A_481 = vector.shape_cast %add3A_474 : vector<16xi32> to vector<1x1x16xi32>
      tpu.vector_store %arg10[%swap3A_476, %swap3A_477, %swap3A_478], %swap3A_481 {strides = array<i32>} : memref<2x49x128xi32, #tpu.memory_space<vmem>>, vector<1x1x16xi32>,
      %get3A_482 = arith.index_cast %add3A_449 : i32 to index
      %get3A_483 = tpu.vector_load %arg6[%get3A_482] {strides = array<i32>} : memref<6272xf32, #tpu.memory_space<vmem>>, vector<16xf32>,
      %get3A_484 = vector.shape_cast %get3A_483 : vector<16xf32> to vector<16xf32>
      %neg3A_485 = arith.constant 0.000000e+00 : f32
      %neg3A_486 = vector.broadcast %neg3A_485 : f32 to vector<16xf32>
      %neg3A_487 = arith.subf %neg3A_486, %get3A_484 : vector<16xf32>
      %exp3A_488 = math.exp %neg3A_487 : vector<16xf32>
      %add3A_489 = arith.constant 1.000000e+00 : f32
      %add3A_490 = vector.broadcast %add3A_489 : f32 to vector<16xf32>
      %add3A_491 = arith.addf %add3A_490, %exp3A_488 : vector<16xf32>
      %div3A_492 = arith.constant 1.000000e+00 : f32
      %div3A_493 = vector.broadcast %div3A_492 : f32 to vector<16xf32>
      %div3A_494 = arith.divf %div3A_493, %add3A_491 : vector<16xf32>
      %swap3A_495 = arith.constant 0 : i32
      %swap3A_496 = arith.index_cast %swap3A_495 : i32 to index
      %swap3A_497 = arith.index_cast %add3A_116 : i32 to index
      %swap3A_498 = arith.constant 96 : index
      %swap3A_499 = tpu.vector_load %arg9[%swap3A_496, %swap3A_497, %swap3A_498] {strides = array<i32>} : memref<2x49x128xf32, #tpu.memory_space<vmem>>, vector<1x1x16xf32>,
      %swap3A_500 = vector.shape_cast %swap3A_499 : vector<1x1x16xf32> to vector<16xf32>
      %swap3A_501 = vector.shape_cast %div3A_494 : vector<16xf32> to vector<1x1x16xf32>
      tpu.vector_store %arg9[%swap3A_496, %swap3A_497, %swap3A_498], %swap3A_501 {strides = array<i32>} : memref<2x49x128xf32, #tpu.memory_space<vmem>>, vector<1x1x16xf32>,
      %mul3A_502 = arith.constant 128 : i32
      %mul3A_503 = arith.muli %add3A_116, %mul3A_502 : i32
      %add3A_504 = arith.constant 112 : i32
      %add3A_505 = arith.addi %mul3A_503, %add3A_504 : i32
      %get3A_506 = arith.index_cast %add3A_505 : i32 to index
      %get3A_507 = tpu.vector_load %arg7[%get3A_506] {strides = array<i32>} : memref<6272xi32, #tpu.memory_space<vmem>>, vector<16xi32>,
      %get3A_508 = vector.shape_cast %get3A_507 : vector<16xi32> to vector<16xi32>
      %get3A_509 = arith.index_cast %add3A_505 : i32 to index
      %get3A_510 = tpu.vector_load %arg8[%get3A_509] {strides = array<i32>} : memref<6272xi32, #tpu.memory_space<vmem>>, vector<16xi32>,
      %get3A_511 = vector.shape_cast %get3A_510 : vector<16xi32> to vector<16xi32>
      %max3A_512 = arith.constant 0 : i32
      %max3A_513 = vector.broadcast %max3A_512 : i32 to vector<16xi32>
      %max3A_514 = arith.maxsi %get3A_508, %max3A_513 : vector<16xi32>
      %min3A_515 = arith.constant 511 : i32
      %min3A_516 = vector.broadcast %min3A_515 : i32 to vector<16xi32>
      %min3A_517 = arith.minsi %max3A_514, %min3A_516 : vector<16xi32>
      %max3A_518 = arith.constant 0 : i32
      %max3A_519 = vector.broadcast %max3A_518 : i32 to vector<16xi32>
      %max3A_520 = arith.maxsi %get3A_511, %max3A_519 : vector<16xi32>
      %min3A_521 = arith.constant 511 : i32
      %min3A_522 = vector.broadcast %min3A_521 : i32 to vector<16xi32>
      %min3A_523 = arith.minsi %max3A_520, %min3A_522 : vector<16xi32>
      %mul3A_524 = arith.constant 512 : i32
      %mul3A_525 = vector.broadcast %mul3A_524 : i32 to vector<16xi32>
      %mul3A_526 = arith.muli %min3A_517, %mul3A_525 : vector<16xi32>
      %add3A_527 = arith.addi %mul3A_526, %min3A_523 : vector<16xi32>
      %add3A_528 = arith.constant 0 : i32
      %add3A_529 = vector.broadcast %add3A_528 : i32 to vector<16xi32>
      %add3A_530 = arith.addi %add3A_527, %add3A_529 : vector<16xi32>
      %swap3A_531 = arith.constant 0 : i32
      %swap3A_532 = arith.index_cast %swap3A_531 : i32 to index
      %swap3A_533 = arith.index_cast %add3A_116 : i32 to index
      %swap3A_534 = arith.constant 112 : index
      %swap3A_535 = tpu.vector_load %arg10[%swap3A_532, %swap3A_533, %swap3A_534] {strides = array<i32>} : memref<2x49x128xi32, #tpu.memory_space<vmem>>, vector<1x1x16xi32>,
      %swap3A_536 = vector.shape_cast %swap3A_535 : vector<1x1x16xi32> to vector<16xi32>
      %swap3A_537 = vector.shape_cast %add3A_530 : vector<16xi32> to vector<1x1x16xi32>
      tpu.vector_store %arg10[%swap3A_532, %swap3A_533, %swap3A_534], %swap3A_537 {strides = array<i32>} : memref<2x49x128xi32, #tpu.memory_space<vmem>>, vector<1x1x16xi32>,
      %get3A_538 = arith.index_cast %add3A_505 : i32 to index
      %get3A_539 = tpu.vector_load %arg6[%get3A_538] {strides = array<i32>} : memref<6272xf32, #tpu.memory_space<vmem>>, vector<16xf32>,
      %get3A_540 = vector.shape_cast %get3A_539 : vector<16xf32> to vector<16xf32>
      %neg3A_541 = arith.constant 0.000000e+00 : f32
      %neg3A_542 = vector.broadcast %neg3A_541 : f32 to vector<16xf32>
      %neg3A_543 = arith.subf %neg3A_542, %get3A_540 : vector<16xf32>
      %exp3A_544 = math.exp %neg3A_543 : vector<16xf32>
      %add3A_545 = arith.constant 1.000000e+00 : f32
      %add3A_546 = vector.broadcast %add3A_545 : f32 to vector<16xf32>
      %add3A_547 = arith.addf %add3A_546, %exp3A_544 : vector<16xf32>
      %div3A_548 = arith.constant 1.000000e+00 : f32
      %div3A_549 = vector.broadcast %div3A_548 : f32 to vector<16xf32>
      %div3A_550 = arith.divf %div3A_549, %add3A_547 : vector<16xf32>
      %swap3A_551 = arith.constant 0 : i32
      %swap3A_552 = arith.index_cast %swap3A_551 : i32 to index
      %swap3A_553 = arith.index_cast %add3A_116 : i32 to index
      %swap3A_554 = arith.constant 112 : index
      %swap3A_555 = tpu.vector_load %arg9[%swap3A_552, %swap3A_553, %swap3A_554] {strides = array<i32>} : memref<2x49x128xf32, #tpu.memory_space<vmem>>, vector<1x1x16xf32>,
      %swap3A_556 = vector.shape_cast %swap3A_555 : vector<1x1x16xf32> to vector<16xf32>
      %swap3A_557 = vector.shape_cast %div3A_550 : vector<16xf32> to vector<1x1x16xf32>
      tpu.vector_store %arg9[%swap3A_552, %swap3A_553, %swap3A_554], %swap3A_557 {strides = array<i32>} : memref<2x49x128xf32, #tpu.memory_space<vmem>>, vector<1x1x16xf32>,
    }
    %scan3A_79 = arith.constant 49 : i32
    %scan3A_80 = arith.constant 0 : i32
    %scan3A_81 = arith.constant 49 : i32
    %scan3A_82 = arith.addi %scan3A_80, %scan3A_81 : i32
    %scan3A_83 = arith.constant 1 : i32
    scf.for %scan3A_112 = %scan3A_80 to %scan3A_82 step %scan3A_83  : i32 {
      %mul3A_113 = arith.constant 1 : i32
      %mul3A_114 = arith.muli %scan3A_112, %mul3A_113 : i32
      %add3A_115 = arith.constant 0 : i32
      %add3A_116 = arith.addi %add3A_115, %mul3A_114 : i32
      %run_scoped3A = arith.constant 0 : i32
      %run_scoped3A_117 = arith.constant 0 : i32
      "tpu.region"() ({
        %run_scoped3A_118 = tpu.sem_alloc : memref<!tpu.dma_semaphore, #tpu.memory_space<semaphore_mem>>
        %dma_start3A = arith.constant 0 : i32
        %dma_start3A_119 = tpu.memref_slice %arg9[%run_scoped3A, %add3A_116, %dma_start3A] : memref<2x49x128xf32, #tpu.memory_space<vmem>> -> memref<1x1x128xf32, #tpu.memory_space<vmem>>
        %dma_start3A_120 = tpu.memref_squeeze %dma_start3A_119 : memref<1x1x128xf32, #tpu.memory_space<vmem>> -> memref<128xf32, #tpu.memory_space<vmem>>
        %dma_start3A_121 = arith.constant 0 : i32
        %dma_start3A_122 = tpu.memref_slice %arg10[%run_scoped3A_117, %add3A_116, %dma_start3A_121] : memref<2x49x128xi32, #tpu.memory_space<vmem>> -> memref<1x1x128xi32, #tpu.memory_space<vmem>>
        %dma_start3A_123 = tpu.memref_squeeze %dma_start3A_122 : memref<1x1x128xi32, #tpu.memory_space<vmem>> -> memref<128xi32, #tpu.memory_space<vmem>>
        %dma_start3A_124 = arith.constant 0 : i32
        %dma_start3A_125 = tpu.memref_slice %arg12[%dma_start3A_124] : memref<524288xf32, #tpu.memory_space<vmem_shared>> -> memref<524288xf32, #tpu.memory_space<vmem_shared>>
        tpu.enqueue_indirect_dma source(%dma_start3A_120 : memref<128xf32, #tpu.memory_space<vmem>>) target(%dma_start3A_125 : memref<524288xf32, #tpu.memory_space<vmem_shared>>) offsets(%dma_start3A_123 : memref<128xi32, #tpu.memory_space<vmem>>) semaphore(%run_scoped3A_118 : memref<!tpu.dma_semaphore, #tpu.memory_space<semaphore_mem>>) {add = true}
        %dma_wait3A = arith.constant 0 : i32
        %dma_wait3A_126 = tpu.memref_slice %arg9[%run_scoped3A, %add3A_116, %dma_wait3A] : memref<2x49x128xf32, #tpu.memory_space<vmem>> -> memref<1x1x128xf32, #tpu.memory_space<vmem>>
        %dma_wait3A_127 = tpu.memref_squeeze %dma_wait3A_126 : memref<1x1x128xf32, #tpu.memory_space<vmem>> -> memref<128xf32, #tpu.memory_space<vmem>>
        %dma_wait3A_128 = arith.constant 0 : i32
        %dma_wait3A_129 = tpu.memref_slice %arg10[%run_scoped3A_117, %add3A_116, %dma_wait3A_128] : memref<2x49x128xi32, #tpu.memory_space<vmem>> -> memref<1x1x128xi32, #tpu.memory_space<vmem>>
        %dma_wait3A_130 = tpu.memref_squeeze %dma_wait3A_129 : memref<1x1x128xi32, #tpu.memory_space<vmem>> -> memref<128xi32, #tpu.memory_space<vmem>>
        %dma_wait3A_131 = arith.constant 0 : i32
        %dma_wait3A_132 = tpu.memref_slice %arg12[%dma_wait3A_131] : memref<524288xf32, #tpu.memory_space<vmem_shared>> -> memref<524288xf32, #tpu.memory_space<vmem_shared>>
        tpu.wait_indirect_dma semaphore(%run_scoped3A_118 : memref<!tpu.dma_semaphore, #tpu.memory_space<semaphore_mem>>) src(%dma_wait3A_127 : memref<128xf32, #tpu.memory_space<vmem>>) dst(%dma_wait3A_132 : memref<524288xf32, #tpu.memory_space<vmem_shared>>)
        tpu.yield
      }) : () -> ()
    }
    %scan3A_84 = arith.constant 49 : i32
    %mul3A_85 = arith.constant 2 : i32
    %mul3A_86 = arith.muli %arg0, %mul3A_85 : i32
    %add3A_87 = arith.constant 1 : i32
    %add3A_88 = arith.addi %mul3A_86, %add3A_87 : i32
    %mul3A_89 = arith.constant 100352 : i32
    %mul3A_90 = arith.muli %add3A_88, %mul3A_89 : i32
    %mul3A_91 = arith.constant 6272 : i32
    %mul3A_92 = arith.muli %arg1, %mul3A_91 : i32
    %add3A_93 = arith.addi %mul3A_90, %mul3A_92 : i32
    "tpu.region"() ({
      %run_scoped3A = tpu.sem_alloc : memref<!tpu.dma_semaphore, #tpu.memory_space<semaphore_mem>>
      %dma_start3A = tpu.memref_slice %arg2[%add3A_93] : memref<401408xf32, #tpu.memory_space<hbm>> -> memref<6272xf32, #tpu.memory_space<hbm>>
      %dma_start3A_112 = tpu.memref_slice %arg2[%add3A_93] : memref<401408xf32, #tpu.memory_space<hbm>> -> memref<6272xf32, #tpu.memory_space<hbm>>
      tpu.enqueue_dma source(%dma_start3A_112 : memref<6272xf32, #tpu.memory_space<hbm>>) target(%arg6 : memref<6272xf32, #tpu.memory_space<vmem>>) target_semaphore(%run_scoped3A : memref<!tpu.dma_semaphore, #tpu.memory_space<semaphore_mem>>)
      %dma_wait3A = tpu.memref_slice %arg2[%add3A_93] : memref<401408xf32, #tpu.memory_space<hbm>> -> memref<6272xf32, #tpu.memory_space<hbm>>
      %dma_wait3A_113 = tpu.memref_slice %arg2[%add3A_93] : memref<401408xf32, #tpu.memory_space<hbm>> -> memref<6272xf32, #tpu.memory_space<hbm>>
      tpu.wait_dma2 semaphore(%run_scoped3A : memref<!tpu.dma_semaphore, #tpu.memory_space<semaphore_mem>>) src(%dma_wait3A_113 : memref<6272xf32, #tpu.memory_space<hbm>>) dst(%arg6 : memref<6272xf32, #tpu.memory_space<vmem>>)
      tpu.yield
    }) : () -> ()
    "tpu.region"() ({
      %run_scoped3A = tpu.sem_alloc : memref<!tpu.dma_semaphore, #tpu.memory_space<semaphore_mem>>
      %dma_start3A = tpu.memref_slice %arg3[%add3A_93] : memref<401408xi32, #tpu.memory_space<hbm>> -> memref<6272xi32, #tpu.memory_space<hbm>>
      %dma_start3A_112 = tpu.memref_slice %arg3[%add3A_93] : memref<401408xi32, #tpu.memory_space<hbm>> -> memref<6272xi32, #tpu.memory_space<hbm>>
      tpu.enqueue_dma source(%dma_start3A_112 : memref<6272xi32, #tpu.memory_space<hbm>>) target(%arg7 : memref<6272xi32, #tpu.memory_space<vmem>>) target_semaphore(%run_scoped3A : memref<!tpu.dma_semaphore, #tpu.memory_space<semaphore_mem>>)
      %dma_wait3A = tpu.memref_slice %arg3[%add3A_93] : memref<401408xi32, #tpu.memory_space<hbm>> -> memref<6272xi32, #tpu.memory_space<hbm>>
      %dma_wait3A_113 = tpu.memref_slice %arg3[%add3A_93] : memref<401408xi32, #tpu.memory_space<hbm>> -> memref<6272xi32, #tpu.memory_space<hbm>>
      tpu.wait_dma2 semaphore(%run_scoped3A : memref<!tpu.dma_semaphore, #tpu.memory_space<semaphore_mem>>) src(%dma_wait3A_113 : memref<6272xi32, #tpu.memory_space<hbm>>) dst(%arg7 : memref<6272xi32, #tpu.memory_space<vmem>>)
      tpu.yield
    }) : () -> ()
    "tpu.region"() ({
      %run_scoped3A = tpu.sem_alloc : memref<!tpu.dma_semaphore, #tpu.memory_space<semaphore_mem>>
      %dma_start3A = tpu.memref_slice %arg4[%add3A_93] : memref<401408xi32, #tpu.memory_space<hbm>> -> memref<6272xi32, #tpu.memory_space<hbm>>
      %dma_start3A_112 = tpu.memref_slice %arg4[%add3A_93] : memref<401408xi32, #tpu.memory_space<hbm>> -> memref<6272xi32, #tpu.memory_space<hbm>>
      tpu.enqueue_dma source(%dma_start3A_112 : memref<6272xi32, #tpu.memory_space<hbm>>) target(%arg8 : memref<6272xi32, #tpu.memory_space<vmem>>) target_semaphore(%run_scoped3A : memref<!tpu.dma_semaphore, #tpu.memory_space<semaphore_mem>>)
      %dma_wait3A = tpu.memref_slice %arg4[%add3A_93] : memref<401408xi32, #tpu.memory_space<hbm>> -> memref<6272xi32, #tpu.memory_space<hbm>>
      %dma_wait3A_113 = tpu.memref_slice %arg4[%add3A_93] : memref<401408xi32, #tpu.memory_space<hbm>> -> memref<6272xi32, #tpu.memory_space<hbm>>
      tpu.wait_dma2 semaphore(%run_scoped3A : memref<!tpu.dma_semaphore, #tpu.memory_space<semaphore_mem>>) src(%dma_wait3A_113 : memref<6272xi32, #tpu.memory_space<hbm>>) dst(%arg8 : memref<6272xi32, #tpu.memory_space<vmem>>)
      tpu.yield
    }) : () -> ()
    %scan3A_94 = arith.constant 0 : i32
    %scan3A_95 = arith.constant 49 : i32
    %scan3A_96 = arith.addi %scan3A_94, %scan3A_95 : i32
    %scan3A_97 = arith.constant 1 : i32
    scf.for %scan3A_112 = %scan3A_94 to %scan3A_96 step %scan3A_97  : i32 {
      %mul3A_113 = arith.constant 1 : i32
      %mul3A_114 = arith.muli %scan3A_112, %mul3A_113 : i32
      %add3A_115 = arith.constant 0 : i32
      %add3A_116 = arith.addi %add3A_115, %mul3A_114 : i32
      %mul3A_117 = arith.constant 128 : i32
      %mul3A_118 = arith.muli %add3A_116, %mul3A_117 : i32
      %add3A_119 = arith.constant 0 : i32
      %add3A_120 = arith.addi %mul3A_118, %add3A_119 : i32
      %get3A = arith.index_cast %add3A_120 : i32 to index
      %get3A_121 = tpu.vector_load %arg7[%get3A] {strides = array<i32>} : memref<6272xi32, #tpu.memory_space<vmem>>, vector<16xi32>,
      %get3A_122 = vector.shape_cast %get3A_121 : vector<16xi32> to vector<16xi32>
      %get3A_123 = arith.index_cast %add3A_120 : i32 to index
      %get3A_124 = tpu.vector_load %arg8[%get3A_123] {strides = array<i32>} : memref<6272xi32, #tpu.memory_space<vmem>>, vector<16xi32>,
      %get3A_125 = vector.shape_cast %get3A_124 : vector<16xi32> to vector<16xi32>
      %max3A = arith.constant 0 : i32
      %max3A_126 = vector.broadcast %max3A : i32 to vector<16xi32>
      %max3A_127 = arith.maxsi %get3A_122, %max3A_126 : vector<16xi32>
      %min3A = arith.constant 511 : i32
      %min3A_128 = vector.broadcast %min3A : i32 to vector<16xi32>
      %min3A_129 = arith.minsi %max3A_127, %min3A_128 : vector<16xi32>
      %max3A_130 = arith.constant 0 : i32
      %max3A_131 = vector.broadcast %max3A_130 : i32 to vector<16xi32>
      %max3A_132 = arith.maxsi %get3A_125, %max3A_131 : vector<16xi32>
      %min3A_133 = arith.constant 511 : i32
      %min3A_134 = vector.broadcast %min3A_133 : i32 to vector<16xi32>
      %min3A_135 = arith.minsi %max3A_132, %min3A_134 : vector<16xi32>
      %mul3A_136 = arith.constant 512 : i32
      %mul3A_137 = vector.broadcast %mul3A_136 : i32 to vector<16xi32>
      %mul3A_138 = arith.muli %min3A_129, %mul3A_137 : vector<16xi32>
      %add3A_139 = arith.addi %mul3A_138, %min3A_135 : vector<16xi32>
      %add3A_140 = arith.constant 262144 : i32
      %add3A_141 = vector.broadcast %add3A_140 : i32 to vector<16xi32>
      %add3A_142 = arith.addi %add3A_139, %add3A_141 : vector<16xi32>
      %swap3A = arith.constant 1 : i32
      %swap3A_143 = arith.index_cast %swap3A : i32 to index
      %swap3A_144 = arith.index_cast %add3A_116 : i32 to index
      %swap3A_145 = arith.constant 0 : index
      %swap3A_146 = tpu.vector_load %arg10[%swap3A_143, %swap3A_144, %swap3A_145] {strides = array<i32>} : memref<2x49x128xi32, #tpu.memory_space<vmem>>, vector<1x1x16xi32>,
      %swap3A_147 = vector.shape_cast %swap3A_146 : vector<1x1x16xi32> to vector<16xi32>
      %swap3A_148 = vector.shape_cast %add3A_142 : vector<16xi32> to vector<1x1x16xi32>
      tpu.vector_store %arg10[%swap3A_143, %swap3A_144, %swap3A_145], %swap3A_148 {strides = array<i32>} : memref<2x49x128xi32, #tpu.memory_space<vmem>>, vector<1x1x16xi32>,
      %get3A_149 = arith.index_cast %add3A_120 : i32 to index
      %get3A_150 = tpu.vector_load %arg6[%get3A_149] {strides = array<i32>} : memref<6272xf32, #tpu.memory_space<vmem>>, vector<16xf32>,
      %get3A_151 = vector.shape_cast %get3A_150 : vector<16xf32> to vector<16xf32>
      %neg3A = arith.constant 0.000000e+00 : f32
      %neg3A_152 = vector.broadcast %neg3A : f32 to vector<16xf32>
      %neg3A_153 = arith.subf %neg3A_152, %get3A_151 : vector<16xf32>
      %exp3A = math.exp %neg3A_153 : vector<16xf32>
      %add3A_154 = arith.constant 1.000000e+00 : f32
      %add3A_155 = vector.broadcast %add3A_154 : f32 to vector<16xf32>
      %add3A_156 = arith.addf %add3A_155, %exp3A : vector<16xf32>
      %div3A = arith.constant 1.000000e+00 : f32
      %div3A_157 = vector.broadcast %div3A : f32 to vector<16xf32>
      %div3A_158 = arith.divf %div3A_157, %add3A_156 : vector<16xf32>
      %swap3A_159 = arith.constant 1 : i32
      %swap3A_160 = arith.index_cast %swap3A_159 : i32 to index
      %swap3A_161 = arith.index_cast %add3A_116 : i32 to index
      %swap3A_162 = arith.constant 0 : index
      %swap3A_163 = tpu.vector_load %arg9[%swap3A_160, %swap3A_161, %swap3A_162] {strides = array<i32>} : memref<2x49x128xf32, #tpu.memory_space<vmem>>, vector<1x1x16xf32>,
      %swap3A_164 = vector.shape_cast %swap3A_163 : vector<1x1x16xf32> to vector<16xf32>
      %swap3A_165 = vector.shape_cast %div3A_158 : vector<16xf32> to vector<1x1x16xf32>
      tpu.vector_store %arg9[%swap3A_160, %swap3A_161, %swap3A_162], %swap3A_165 {strides = array<i32>} : memref<2x49x128xf32, #tpu.memory_space<vmem>>, vector<1x1x16xf32>,
      %mul3A_166 = arith.constant 128 : i32
      %mul3A_167 = arith.muli %add3A_116, %mul3A_166 : i32
      %add3A_168 = arith.constant 16 : i32
      %add3A_169 = arith.addi %mul3A_167, %add3A_168 : i32
      %get3A_170 = arith.index_cast %add3A_169 : i32 to index
      %get3A_171 = tpu.vector_load %arg7[%get3A_170] {strides = array<i32>} : memref<6272xi32, #tpu.memory_space<vmem>>, vector<16xi32>,
      %get3A_172 = vector.shape_cast %get3A_171 : vector<16xi32> to vector<16xi32>
      %get3A_173 = arith.index_cast %add3A_169 : i32 to index
      %get3A_174 = tpu.vector_load %arg8[%get3A_173] {strides = array<i32>} : memref<6272xi32, #tpu.memory_space<vmem>>, vector<16xi32>,
      %get3A_175 = vector.shape_cast %get3A_174 : vector<16xi32> to vector<16xi32>
      %max3A_176 = arith.constant 0 : i32
      %max3A_177 = vector.broadcast %max3A_176 : i32 to vector<16xi32>
      %max3A_178 = arith.maxsi %get3A_172, %max3A_177 : vector<16xi32>
      %min3A_179 = arith.constant 511 : i32
      %min3A_180 = vector.broadcast %min3A_179 : i32 to vector<16xi32>
      %min3A_181 = arith.minsi %max3A_178, %min3A_180 : vector<16xi32>
      %max3A_182 = arith.constant 0 : i32
      %max3A_183 = vector.broadcast %max3A_182 : i32 to vector<16xi32>
      %max3A_184 = arith.maxsi %get3A_175, %max3A_183 : vector<16xi32>
      %min3A_185 = arith.constant 511 : i32
      %min3A_186 = vector.broadcast %min3A_185 : i32 to vector<16xi32>
      %min3A_187 = arith.minsi %max3A_184, %min3A_186 : vector<16xi32>
      %mul3A_188 = arith.constant 512 : i32
      %mul3A_189 = vector.broadcast %mul3A_188 : i32 to vector<16xi32>
      %mul3A_190 = arith.muli %min3A_181, %mul3A_189 : vector<16xi32>
      %add3A_191 = arith.addi %mul3A_190, %min3A_187 : vector<16xi32>
      %add3A_192 = arith.constant 262144 : i32
      %add3A_193 = vector.broadcast %add3A_192 : i32 to vector<16xi32>
      %add3A_194 = arith.addi %add3A_191, %add3A_193 : vector<16xi32>
      %swap3A_195 = arith.constant 1 : i32
      %swap3A_196 = arith.index_cast %swap3A_195 : i32 to index
      %swap3A_197 = arith.index_cast %add3A_116 : i32 to index
      %swap3A_198 = arith.constant 16 : index
      %swap3A_199 = tpu.vector_load %arg10[%swap3A_196, %swap3A_197, %swap3A_198] {strides = array<i32>} : memref<2x49x128xi32, #tpu.memory_space<vmem>>, vector<1x1x16xi32>,
      %swap3A_200 = vector.shape_cast %swap3A_199 : vector<1x1x16xi32> to vector<16xi32>
      %swap3A_201 = vector.shape_cast %add3A_194 : vector<16xi32> to vector<1x1x16xi32>
      tpu.vector_store %arg10[%swap3A_196, %swap3A_197, %swap3A_198], %swap3A_201 {strides = array<i32>} : memref<2x49x128xi32, #tpu.memory_space<vmem>>, vector<1x1x16xi32>,
      %get3A_202 = arith.index_cast %add3A_169 : i32 to index
      %get3A_203 = tpu.vector_load %arg6[%get3A_202] {strides = array<i32>} : memref<6272xf32, #tpu.memory_space<vmem>>, vector<16xf32>,
      %get3A_204 = vector.shape_cast %get3A_203 : vector<16xf32> to vector<16xf32>
      %neg3A_205 = arith.constant 0.000000e+00 : f32
      %neg3A_206 = vector.broadcast %neg3A_205 : f32 to vector<16xf32>
      %neg3A_207 = arith.subf %neg3A_206, %get3A_204 : vector<16xf32>
      %exp3A_208 = math.exp %neg3A_207 : vector<16xf32>
      %add3A_209 = arith.constant 1.000000e+00 : f32
      %add3A_210 = vector.broadcast %add3A_209 : f32 to vector<16xf32>
      %add3A_211 = arith.addf %add3A_210, %exp3A_208 : vector<16xf32>
      %div3A_212 = arith.constant 1.000000e+00 : f32
      %div3A_213 = vector.broadcast %div3A_212 : f32 to vector<16xf32>
      %div3A_214 = arith.divf %div3A_213, %add3A_211 : vector<16xf32>
      %swap3A_215 = arith.constant 1 : i32
      %swap3A_216 = arith.index_cast %swap3A_215 : i32 to index
      %swap3A_217 = arith.index_cast %add3A_116 : i32 to index
      %swap3A_218 = arith.constant 16 : index
      %swap3A_219 = tpu.vector_load %arg9[%swap3A_216, %swap3A_217, %swap3A_218] {strides = array<i32>} : memref<2x49x128xf32, #tpu.memory_space<vmem>>, vector<1x1x16xf32>,
      %swap3A_220 = vector.shape_cast %swap3A_219 : vector<1x1x16xf32> to vector<16xf32>
      %swap3A_221 = vector.shape_cast %div3A_214 : vector<16xf32> to vector<1x1x16xf32>
      tpu.vector_store %arg9[%swap3A_216, %swap3A_217, %swap3A_218], %swap3A_221 {strides = array<i32>} : memref<2x49x128xf32, #tpu.memory_space<vmem>>, vector<1x1x16xf32>,
      %mul3A_222 = arith.constant 128 : i32
      %mul3A_223 = arith.muli %add3A_116, %mul3A_222 : i32
      %add3A_224 = arith.constant 32 : i32
      %add3A_225 = arith.addi %mul3A_223, %add3A_224 : i32
      %get3A_226 = arith.index_cast %add3A_225 : i32 to index
      %get3A_227 = tpu.vector_load %arg7[%get3A_226] {strides = array<i32>} : memref<6272xi32, #tpu.memory_space<vmem>>, vector<16xi32>,
      %get3A_228 = vector.shape_cast %get3A_227 : vector<16xi32> to vector<16xi32>
      %get3A_229 = arith.index_cast %add3A_225 : i32 to index
      %get3A_230 = tpu.vector_load %arg8[%get3A_229] {strides = array<i32>} : memref<6272xi32, #tpu.memory_space<vmem>>, vector<16xi32>,
      %get3A_231 = vector.shape_cast %get3A_230 : vector<16xi32> to vector<16xi32>
      %max3A_232 = arith.constant 0 : i32
      %max3A_233 = vector.broadcast %max3A_232 : i32 to vector<16xi32>
      %max3A_234 = arith.maxsi %get3A_228, %max3A_233 : vector<16xi32>
      %min3A_235 = arith.constant 511 : i32
      %min3A_236 = vector.broadcast %min3A_235 : i32 to vector<16xi32>
      %min3A_237 = arith.minsi %max3A_234, %min3A_236 : vector<16xi32>
      %max3A_238 = arith.constant 0 : i32
      %max3A_239 = vector.broadcast %max3A_238 : i32 to vector<16xi32>
      %max3A_240 = arith.maxsi %get3A_231, %max3A_239 : vector<16xi32>
      %min3A_241 = arith.constant 511 : i32
      %min3A_242 = vector.broadcast %min3A_241 : i32 to vector<16xi32>
      %min3A_243 = arith.minsi %max3A_240, %min3A_242 : vector<16xi32>
      %mul3A_244 = arith.constant 512 : i32
      %mul3A_245 = vector.broadcast %mul3A_244 : i32 to vector<16xi32>
      %mul3A_246 = arith.muli %min3A_237, %mul3A_245 : vector<16xi32>
      %add3A_247 = arith.addi %mul3A_246, %min3A_243 : vector<16xi32>
      %add3A_248 = arith.constant 262144 : i32
      %add3A_249 = vector.broadcast %add3A_248 : i32 to vector<16xi32>
      %add3A_250 = arith.addi %add3A_247, %add3A_249 : vector<16xi32>
      %swap3A_251 = arith.constant 1 : i32
      %swap3A_252 = arith.index_cast %swap3A_251 : i32 to index
      %swap3A_253 = arith.index_cast %add3A_116 : i32 to index
      %swap3A_254 = arith.constant 32 : index
      %swap3A_255 = tpu.vector_load %arg10[%swap3A_252, %swap3A_253, %swap3A_254] {strides = array<i32>} : memref<2x49x128xi32, #tpu.memory_space<vmem>>, vector<1x1x16xi32>,
      %swap3A_256 = vector.shape_cast %swap3A_255 : vector<1x1x16xi32> to vector<16xi32>
      %swap3A_257 = vector.shape_cast %add3A_250 : vector<16xi32> to vector<1x1x16xi32>
      tpu.vector_store %arg10[%swap3A_252, %swap3A_253, %swap3A_254], %swap3A_257 {strides = array<i32>} : memref<2x49x128xi32, #tpu.memory_space<vmem>>, vector<1x1x16xi32>,
      %get3A_258 = arith.index_cast %add3A_225 : i32 to index
      %get3A_259 = tpu.vector_load %arg6[%get3A_258] {strides = array<i32>} : memref<6272xf32, #tpu.memory_space<vmem>>, vector<16xf32>,
      %get3A_260 = vector.shape_cast %get3A_259 : vector<16xf32> to vector<16xf32>
      %neg3A_261 = arith.constant 0.000000e+00 : f32
      %neg3A_262 = vector.broadcast %neg3A_261 : f32 to vector<16xf32>
      %neg3A_263 = arith.subf %neg3A_262, %get3A_260 : vector<16xf32>
      %exp3A_264 = math.exp %neg3A_263 : vector<16xf32>
      %add3A_265 = arith.constant 1.000000e+00 : f32
      %add3A_266 = vector.broadcast %add3A_265 : f32 to vector<16xf32>
      %add3A_267 = arith.addf %add3A_266, %exp3A_264 : vector<16xf32>
      %div3A_268 = arith.constant 1.000000e+00 : f32
      %div3A_269 = vector.broadcast %div3A_268 : f32 to vector<16xf32>
      %div3A_270 = arith.divf %div3A_269, %add3A_267 : vector<16xf32>
      %swap3A_271 = arith.constant 1 : i32
      %swap3A_272 = arith.index_cast %swap3A_271 : i32 to index
      %swap3A_273 = arith.index_cast %add3A_116 : i32 to index
      %swap3A_274 = arith.constant 32 : index
      %swap3A_275 = tpu.vector_load %arg9[%swap3A_272, %swap3A_273, %swap3A_274] {strides = array<i32>} : memref<2x49x128xf32, #tpu.memory_space<vmem>>, vector<1x1x16xf32>,
      %swap3A_276 = vector.shape_cast %swap3A_275 : vector<1x1x16xf32> to vector<16xf32>
      %swap3A_277 = vector.shape_cast %div3A_270 : vector<16xf32> to vector<1x1x16xf32>
      tpu.vector_store %arg9[%swap3A_272, %swap3A_273, %swap3A_274], %swap3A_277 {strides = array<i32>} : memref<2x49x128xf32, #tpu.memory_space<vmem>>, vector<1x1x16xf32>,
      %mul3A_278 = arith.constant 128 : i32
      %mul3A_279 = arith.muli %add3A_116, %mul3A_278 : i32
      %add3A_280 = arith.constant 48 : i32
      %add3A_281 = arith.addi %mul3A_279, %add3A_280 : i32
      %get3A_282 = arith.index_cast %add3A_281 : i32 to index
      %get3A_283 = tpu.vector_load %arg7[%get3A_282] {strides = array<i32>} : memref<6272xi32, #tpu.memory_space<vmem>>, vector<16xi32>,
      %get3A_284 = vector.shape_cast %get3A_283 : vector<16xi32> to vector<16xi32>
      %get3A_285 = arith.index_cast %add3A_281 : i32 to index
      %get3A_286 = tpu.vector_load %arg8[%get3A_285] {strides = array<i32>} : memref<6272xi32, #tpu.memory_space<vmem>>, vector<16xi32>,
      %get3A_287 = vector.shape_cast %get3A_286 : vector<16xi32> to vector<16xi32>
      %max3A_288 = arith.constant 0 : i32
      %max3A_289 = vector.broadcast %max3A_288 : i32 to vector<16xi32>
      %max3A_290 = arith.maxsi %get3A_284, %max3A_289 : vector<16xi32>
      %min3A_291 = arith.constant 511 : i32
      %min3A_292 = vector.broadcast %min3A_291 : i32 to vector<16xi32>
      %min3A_293 = arith.minsi %max3A_290, %min3A_292 : vector<16xi32>
      %max3A_294 = arith.constant 0 : i32
      %max3A_295 = vector.broadcast %max3A_294 : i32 to vector<16xi32>
      %max3A_296 = arith.maxsi %get3A_287, %max3A_295 : vector<16xi32>
      %min3A_297 = arith.constant 511 : i32
      %min3A_298 = vector.broadcast %min3A_297 : i32 to vector<16xi32>
      %min3A_299 = arith.minsi %max3A_296, %min3A_298 : vector<16xi32>
      %mul3A_300 = arith.constant 512 : i32
      %mul3A_301 = vector.broadcast %mul3A_300 : i32 to vector<16xi32>
      %mul3A_302 = arith.muli %min3A_293, %mul3A_301 : vector<16xi32>
      %add3A_303 = arith.addi %mul3A_302, %min3A_299 : vector<16xi32>
      %add3A_304 = arith.constant 262144 : i32
      %add3A_305 = vector.broadcast %add3A_304 : i32 to vector<16xi32>
      %add3A_306 = arith.addi %add3A_303, %add3A_305 : vector<16xi32>
      %swap3A_307 = arith.constant 1 : i32
      %swap3A_308 = arith.index_cast %swap3A_307 : i32 to index
      %swap3A_309 = arith.index_cast %add3A_116 : i32 to index
      %swap3A_310 = arith.constant 48 : index
      %swap3A_311 = tpu.vector_load %arg10[%swap3A_308, %swap3A_309, %swap3A_310] {strides = array<i32>} : memref<2x49x128xi32, #tpu.memory_space<vmem>>, vector<1x1x16xi32>,
      %swap3A_312 = vector.shape_cast %swap3A_311 : vector<1x1x16xi32> to vector<16xi32>
      %swap3A_313 = vector.shape_cast %add3A_306 : vector<16xi32> to vector<1x1x16xi32>
      tpu.vector_store %arg10[%swap3A_308, %swap3A_309, %swap3A_310], %swap3A_313 {strides = array<i32>} : memref<2x49x128xi32, #tpu.memory_space<vmem>>, vector<1x1x16xi32>,
      %get3A_314 = arith.index_cast %add3A_281 : i32 to index
      %get3A_315 = tpu.vector_load %arg6[%get3A_314] {strides = array<i32>} : memref<6272xf32, #tpu.memory_space<vmem>>, vector<16xf32>,
      %get3A_316 = vector.shape_cast %get3A_315 : vector<16xf32> to vector<16xf32>
      %neg3A_317 = arith.constant 0.000000e+00 : f32
      %neg3A_318 = vector.broadcast %neg3A_317 : f32 to vector<16xf32>
      %neg3A_319 = arith.subf %neg3A_318, %get3A_316 : vector<16xf32>
      %exp3A_320 = math.exp %neg3A_319 : vector<16xf32>
      %add3A_321 = arith.constant 1.000000e+00 : f32
      %add3A_322 = vector.broadcast %add3A_321 : f32 to vector<16xf32>
      %add3A_323 = arith.addf %add3A_322, %exp3A_320 : vector<16xf32>
      %div3A_324 = arith.constant 1.000000e+00 : f32
      %div3A_325 = vector.broadcast %div3A_324 : f32 to vector<16xf32>
      %div3A_326 = arith.divf %div3A_325, %add3A_323 : vector<16xf32>
      %swap3A_327 = arith.constant 1 : i32
      %swap3A_328 = arith.index_cast %swap3A_327 : i32 to index
      %swap3A_329 = arith.index_cast %add3A_116 : i32 to index
      %swap3A_330 = arith.constant 48 : index
      %swap3A_331 = tpu.vector_load %arg9[%swap3A_328, %swap3A_329, %swap3A_330] {strides = array<i32>} : memref<2x49x128xf32, #tpu.memory_space<vmem>>, vector<1x1x16xf32>,
      %swap3A_332 = vector.shape_cast %swap3A_331 : vector<1x1x16xf32> to vector<16xf32>
      %swap3A_333 = vector.shape_cast %div3A_326 : vector<16xf32> to vector<1x1x16xf32>
      tpu.vector_store %arg9[%swap3A_328, %swap3A_329, %swap3A_330], %swap3A_333 {strides = array<i32>} : memref<2x49x128xf32, #tpu.memory_space<vmem>>, vector<1x1x16xf32>,
      %mul3A_334 = arith.constant 128 : i32
      %mul3A_335 = arith.muli %add3A_116, %mul3A_334 : i32
      %add3A_336 = arith.constant 64 : i32
      %add3A_337 = arith.addi %mul3A_335, %add3A_336 : i32
      %get3A_338 = arith.index_cast %add3A_337 : i32 to index
      %get3A_339 = tpu.vector_load %arg7[%get3A_338] {strides = array<i32>} : memref<6272xi32, #tpu.memory_space<vmem>>, vector<16xi32>,
      %get3A_340 = vector.shape_cast %get3A_339 : vector<16xi32> to vector<16xi32>
      %get3A_341 = arith.index_cast %add3A_337 : i32 to index
      %get3A_342 = tpu.vector_load %arg8[%get3A_341] {strides = array<i32>} : memref<6272xi32, #tpu.memory_space<vmem>>, vector<16xi32>,
      %get3A_343 = vector.shape_cast %get3A_342 : vector<16xi32> to vector<16xi32>
      %max3A_344 = arith.constant 0 : i32
      %max3A_345 = vector.broadcast %max3A_344 : i32 to vector<16xi32>
      %max3A_346 = arith.maxsi %get3A_340, %max3A_345 : vector<16xi32>
      %min3A_347 = arith.constant 511 : i32
      %min3A_348 = vector.broadcast %min3A_347 : i32 to vector<16xi32>
      %min3A_349 = arith.minsi %max3A_346, %min3A_348 : vector<16xi32>
      %max3A_350 = arith.constant 0 : i32
      %max3A_351 = vector.broadcast %max3A_350 : i32 to vector<16xi32>
      %max3A_352 = arith.maxsi %get3A_343, %max3A_351 : vector<16xi32>
      %min3A_353 = arith.constant 511 : i32
      %min3A_354 = vector.broadcast %min3A_353 : i32 to vector<16xi32>
      %min3A_355 = arith.minsi %max3A_352, %min3A_354 : vector<16xi32>
      %mul3A_356 = arith.constant 512 : i32
      %mul3A_357 = vector.broadcast %mul3A_356 : i32 to vector<16xi32>
      %mul3A_358 = arith.muli %min3A_349, %mul3A_357 : vector<16xi32>
      %add3A_359 = arith.addi %mul3A_358, %min3A_355 : vector<16xi32>
      %add3A_360 = arith.constant 262144 : i32
      %add3A_361 = vector.broadcast %add3A_360 : i32 to vector<16xi32>
      %add3A_362 = arith.addi %add3A_359, %add3A_361 : vector<16xi32>
      %swap3A_363 = arith.constant 1 : i32
      %swap3A_364 = arith.index_cast %swap3A_363 : i32 to index
      %swap3A_365 = arith.index_cast %add3A_116 : i32 to index
      %swap3A_366 = arith.constant 64 : index
      %swap3A_367 = tpu.vector_load %arg10[%swap3A_364, %swap3A_365, %swap3A_366] {strides = array<i32>} : memref<2x49x128xi32, #tpu.memory_space<vmem>>, vector<1x1x16xi32>,
      %swap3A_368 = vector.shape_cast %swap3A_367 : vector<1x1x16xi32> to vector<16xi32>
      %swap3A_369 = vector.shape_cast %add3A_362 : vector<16xi32> to vector<1x1x16xi32>
      tpu.vector_store %arg10[%swap3A_364, %swap3A_365, %swap3A_366], %swap3A_369 {strides = array<i32>} : memref<2x49x128xi32, #tpu.memory_space<vmem>>, vector<1x1x16xi32>,
      %get3A_370 = arith.index_cast %add3A_337 : i32 to index
      %get3A_371 = tpu.vector_load %arg6[%get3A_370] {strides = array<i32>} : memref<6272xf32, #tpu.memory_space<vmem>>, vector<16xf32>,
      %get3A_372 = vector.shape_cast %get3A_371 : vector<16xf32> to vector<16xf32>
      %neg3A_373 = arith.constant 0.000000e+00 : f32
      %neg3A_374 = vector.broadcast %neg3A_373 : f32 to vector<16xf32>
      %neg3A_375 = arith.subf %neg3A_374, %get3A_372 : vector<16xf32>
      %exp3A_376 = math.exp %neg3A_375 : vector<16xf32>
      %add3A_377 = arith.constant 1.000000e+00 : f32
      %add3A_378 = vector.broadcast %add3A_377 : f32 to vector<16xf32>
      %add3A_379 = arith.addf %add3A_378, %exp3A_376 : vector<16xf32>
      %div3A_380 = arith.constant 1.000000e+00 : f32
      %div3A_381 = vector.broadcast %div3A_380 : f32 to vector<16xf32>
      %div3A_382 = arith.divf %div3A_381, %add3A_379 : vector<16xf32>
      %swap3A_383 = arith.constant 1 : i32
      %swap3A_384 = arith.index_cast %swap3A_383 : i32 to index
      %swap3A_385 = arith.index_cast %add3A_116 : i32 to index
      %swap3A_386 = arith.constant 64 : index
      %swap3A_387 = tpu.vector_load %arg9[%swap3A_384, %swap3A_385, %swap3A_386] {strides = array<i32>} : memref<2x49x128xf32, #tpu.memory_space<vmem>>, vector<1x1x16xf32>,
      %swap3A_388 = vector.shape_cast %swap3A_387 : vector<1x1x16xf32> to vector<16xf32>
      %swap3A_389 = vector.shape_cast %div3A_382 : vector<16xf32> to vector<1x1x16xf32>
      tpu.vector_store %arg9[%swap3A_384, %swap3A_385, %swap3A_386], %swap3A_389 {strides = array<i32>} : memref<2x49x128xf32, #tpu.memory_space<vmem>>, vector<1x1x16xf32>,
      %mul3A_390 = arith.constant 128 : i32
      %mul3A_391 = arith.muli %add3A_116, %mul3A_390 : i32
      %add3A_392 = arith.constant 80 : i32
      %add3A_393 = arith.addi %mul3A_391, %add3A_392 : i32
      %get3A_394 = arith.index_cast %add3A_393 : i32 to index
      %get3A_395 = tpu.vector_load %arg7[%get3A_394] {strides = array<i32>} : memref<6272xi32, #tpu.memory_space<vmem>>, vector<16xi32>,
      %get3A_396 = vector.shape_cast %get3A_395 : vector<16xi32> to vector<16xi32>
      %get3A_397 = arith.index_cast %add3A_393 : i32 to index
      %get3A_398 = tpu.vector_load %arg8[%get3A_397] {strides = array<i32>} : memref<6272xi32, #tpu.memory_space<vmem>>, vector<16xi32>,
      %get3A_399 = vector.shape_cast %get3A_398 : vector<16xi32> to vector<16xi32>
      %max3A_400 = arith.constant 0 : i32
      %max3A_401 = vector.broadcast %max3A_400 : i32 to vector<16xi32>
      %max3A_402 = arith.maxsi %get3A_396, %max3A_401 : vector<16xi32>
      %min3A_403 = arith.constant 511 : i32
      %min3A_404 = vector.broadcast %min3A_403 : i32 to vector<16xi32>
      %min3A_405 = arith.minsi %max3A_402, %min3A_404 : vector<16xi32>
      %max3A_406 = arith.constant 0 : i32
      %max3A_407 = vector.broadcast %max3A_406 : i32 to vector<16xi32>
      %max3A_408 = arith.maxsi %get3A_399, %max3A_407 : vector<16xi32>
      %min3A_409 = arith.constant 511 : i32
      %min3A_410 = vector.broadcast %min3A_409 : i32 to vector<16xi32>
      %min3A_411 = arith.minsi %max3A_408, %min3A_410 : vector<16xi32>
      %mul3A_412 = arith.constant 512 : i32
      %mul3A_413 = vector.broadcast %mul3A_412 : i32 to vector<16xi32>
      %mul3A_414 = arith.muli %min3A_405, %mul3A_413 : vector<16xi32>
      %add3A_415 = arith.addi %mul3A_414, %min3A_411 : vector<16xi32>
      %add3A_416 = arith.constant 262144 : i32
      %add3A_417 = vector.broadcast %add3A_416 : i32 to vector<16xi32>
      %add3A_418 = arith.addi %add3A_415, %add3A_417 : vector<16xi32>
      %swap3A_419 = arith.constant 1 : i32
      %swap3A_420 = arith.index_cast %swap3A_419 : i32 to index
      %swap3A_421 = arith.index_cast %add3A_116 : i32 to index
      %swap3A_422 = arith.constant 80 : index
      %swap3A_423 = tpu.vector_load %arg10[%swap3A_420, %swap3A_421, %swap3A_422] {strides = array<i32>} : memref<2x49x128xi32, #tpu.memory_space<vmem>>, vector<1x1x16xi32>,
      %swap3A_424 = vector.shape_cast %swap3A_423 : vector<1x1x16xi32> to vector<16xi32>
      %swap3A_425 = vector.shape_cast %add3A_418 : vector<16xi32> to vector<1x1x16xi32>
      tpu.vector_store %arg10[%swap3A_420, %swap3A_421, %swap3A_422], %swap3A_425 {strides = array<i32>} : memref<2x49x128xi32, #tpu.memory_space<vmem>>, vector<1x1x16xi32>,
      %get3A_426 = arith.index_cast %add3A_393 : i32 to index
      %get3A_427 = tpu.vector_load %arg6[%get3A_426] {strides = array<i32>} : memref<6272xf32, #tpu.memory_space<vmem>>, vector<16xf32>,
      %get3A_428 = vector.shape_cast %get3A_427 : vector<16xf32> to vector<16xf32>
      %neg3A_429 = arith.constant 0.000000e+00 : f32
      %neg3A_430 = vector.broadcast %neg3A_429 : f32 to vector<16xf32>
      %neg3A_431 = arith.subf %neg3A_430, %get3A_428 : vector<16xf32>
      %exp3A_432 = math.exp %neg3A_431 : vector<16xf32>
      %add3A_433 = arith.constant 1.000000e+00 : f32
      %add3A_434 = vector.broadcast %add3A_433 : f32 to vector<16xf32>
      %add3A_435 = arith.addf %add3A_434, %exp3A_432 : vector<16xf32>
      %div3A_436 = arith.constant 1.000000e+00 : f32
      %div3A_437 = vector.broadcast %div3A_436 : f32 to vector<16xf32>
      %div3A_438 = arith.divf %div3A_437, %add3A_435 : vector<16xf32>
      %swap3A_439 = arith.constant 1 : i32
      %swap3A_440 = arith.index_cast %swap3A_439 : i32 to index
      %swap3A_441 = arith.index_cast %add3A_116 : i32 to index
      %swap3A_442 = arith.constant 80 : index
      %swap3A_443 = tpu.vector_load %arg9[%swap3A_440, %swap3A_441, %swap3A_442] {strides = array<i32>} : memref<2x49x128xf32, #tpu.memory_space<vmem>>, vector<1x1x16xf32>,
      %swap3A_444 = vector.shape_cast %swap3A_443 : vector<1x1x16xf32> to vector<16xf32>
      %swap3A_445 = vector.shape_cast %div3A_438 : vector<16xf32> to vector<1x1x16xf32>
      tpu.vector_store %arg9[%swap3A_440, %swap3A_441, %swap3A_442], %swap3A_445 {strides = array<i32>} : memref<2x49x128xf32, #tpu.memory_space<vmem>>, vector<1x1x16xf32>,
      %mul3A_446 = arith.constant 128 : i32
      %mul3A_447 = arith.muli %add3A_116, %mul3A_446 : i32
      %add3A_448 = arith.constant 96 : i32
      %add3A_449 = arith.addi %mul3A_447, %add3A_448 : i32
      %get3A_450 = arith.index_cast %add3A_449 : i32 to index
      %get3A_451 = tpu.vector_load %arg7[%get3A_450] {strides = array<i32>} : memref<6272xi32, #tpu.memory_space<vmem>>, vector<16xi32>,
      %get3A_452 = vector.shape_cast %get3A_451 : vector<16xi32> to vector<16xi32>
      %get3A_453 = arith.index_cast %add3A_449 : i32 to index
      %get3A_454 = tpu.vector_load %arg8[%get3A_453] {strides = array<i32>} : memref<6272xi32, #tpu.memory_space<vmem>>, vector<16xi32>,
      %get3A_455 = vector.shape_cast %get3A_454 : vector<16xi32> to vector<16xi32>
      %max3A_456 = arith.constant 0 : i32
      %max3A_457 = vector.broadcast %max3A_456 : i32 to vector<16xi32>
      %max3A_458 = arith.maxsi %get3A_452, %max3A_457 : vector<16xi32>
      %min3A_459 = arith.constant 511 : i32
      %min3A_460 = vector.broadcast %min3A_459 : i32 to vector<16xi32>
      %min3A_461 = arith.minsi %max3A_458, %min3A_460 : vector<16xi32>
      %max3A_462 = arith.constant 0 : i32
      %max3A_463 = vector.broadcast %max3A_462 : i32 to vector<16xi32>
      %max3A_464 = arith.maxsi %get3A_455, %max3A_463 : vector<16xi32>
      %min3A_465 = arith.constant 511 : i32
      %min3A_466 = vector.broadcast %min3A_465 : i32 to vector<16xi32>
      %min3A_467 = arith.minsi %max3A_464, %min3A_466 : vector<16xi32>
      %mul3A_468 = arith.constant 512 : i32
      %mul3A_469 = vector.broadcast %mul3A_468 : i32 to vector<16xi32>
      %mul3A_470 = arith.muli %min3A_461, %mul3A_469 : vector<16xi32>
      %add3A_471 = arith.addi %mul3A_470, %min3A_467 : vector<16xi32>
      %add3A_472 = arith.constant 262144 : i32
      %add3A_473 = vector.broadcast %add3A_472 : i32 to vector<16xi32>
      %add3A_474 = arith.addi %add3A_471, %add3A_473 : vector<16xi32>
      %swap3A_475 = arith.constant 1 : i32
      %swap3A_476 = arith.index_cast %swap3A_475 : i32 to index
      %swap3A_477 = arith.index_cast %add3A_116 : i32 to index
      %swap3A_478 = arith.constant 96 : index
      %swap3A_479 = tpu.vector_load %arg10[%swap3A_476, %swap3A_477, %swap3A_478] {strides = array<i32>} : memref<2x49x128xi32, #tpu.memory_space<vmem>>, vector<1x1x16xi32>,
      %swap3A_480 = vector.shape_cast %swap3A_479 : vector<1x1x16xi32> to vector<16xi32>
      %swap3A_481 = vector.shape_cast %add3A_474 : vector<16xi32> to vector<1x1x16xi32>
      tpu.vector_store %arg10[%swap3A_476, %swap3A_477, %swap3A_478], %swap3A_481 {strides = array<i32>} : memref<2x49x128xi32, #tpu.memory_space<vmem>>, vector<1x1x16xi32>,
      %get3A_482 = arith.index_cast %add3A_449 : i32 to index
      %get3A_483 = tpu.vector_load %arg6[%get3A_482] {strides = array<i32>} : memref<6272xf32, #tpu.memory_space<vmem>>, vector<16xf32>,
      %get3A_484 = vector.shape_cast %get3A_483 : vector<16xf32> to vector<16xf32>
      %neg3A_485 = arith.constant 0.000000e+00 : f32
      %neg3A_486 = vector.broadcast %neg3A_485 : f32 to vector<16xf32>
      %neg3A_487 = arith.subf %neg3A_486, %get3A_484 : vector<16xf32>
      %exp3A_488 = math.exp %neg3A_487 : vector<16xf32>
      %add3A_489 = arith.constant 1.000000e+00 : f32
      %add3A_490 = vector.broadcast %add3A_489 : f32 to vector<16xf32>
      %add3A_491 = arith.addf %add3A_490, %exp3A_488 : vector<16xf32>
      %div3A_492 = arith.constant 1.000000e+00 : f32
      %div3A_493 = vector.broadcast %div3A_492 : f32 to vector<16xf32>
      %div3A_494 = arith.divf %div3A_493, %add3A_491 : vector<16xf32>
      %swap3A_495 = arith.constant 1 : i32
      %swap3A_496 = arith.index_cast %swap3A_495 : i32 to index
      %swap3A_497 = arith.index_cast %add3A_116 : i32 to index
      %swap3A_498 = arith.constant 96 : index
      %swap3A_499 = tpu.vector_load %arg9[%swap3A_496, %swap3A_497, %swap3A_498] {strides = array<i32>} : memref<2x49x128xf32, #tpu.memory_space<vmem>>, vector<1x1x16xf32>,
      %swap3A_500 = vector.shape_cast %swap3A_499 : vector<1x1x16xf32> to vector<16xf32>
      %swap3A_501 = vector.shape_cast %div3A_494 : vector<16xf32> to vector<1x1x16xf32>
      tpu.vector_store %arg9[%swap3A_496, %swap3A_497, %swap3A_498], %swap3A_501 {strides = array<i32>} : memref<2x49x128xf32, #tpu.memory_space<vmem>>, vector<1x1x16xf32>,
      %mul3A_502 = arith.constant 128 : i32
      %mul3A_503 = arith.muli %add3A_116, %mul3A_502 : i32
      %add3A_504 = arith.constant 112 : i32
      %add3A_505 = arith.addi %mul3A_503, %add3A_504 : i32
      %get3A_506 = arith.index_cast %add3A_505 : i32 to index
      %get3A_507 = tpu.vector_load %arg7[%get3A_506] {strides = array<i32>} : memref<6272xi32, #tpu.memory_space<vmem>>, vector<16xi32>,
      %get3A_508 = vector.shape_cast %get3A_507 : vector<16xi32> to vector<16xi32>
      %get3A_509 = arith.index_cast %add3A_505 : i32 to index
      %get3A_510 = tpu.vector_load %arg8[%get3A_509] {strides = array<i32>} : memref<6272xi32, #tpu.memory_space<vmem>>, vector<16xi32>,
      %get3A_511 = vector.shape_cast %get3A_510 : vector<16xi32> to vector<16xi32>
      %max3A_512 = arith.constant 0 : i32
      %max3A_513 = vector.broadcast %max3A_512 : i32 to vector<16xi32>
      %max3A_514 = arith.maxsi %get3A_508, %max3A_513 : vector<16xi32>
      %min3A_515 = arith.constant 511 : i32
      %min3A_516 = vector.broadcast %min3A_515 : i32 to vector<16xi32>
      %min3A_517 = arith.minsi %max3A_514, %min3A_516 : vector<16xi32>
      %max3A_518 = arith.constant 0 : i32
      %max3A_519 = vector.broadcast %max3A_518 : i32 to vector<16xi32>
      %max3A_520 = arith.maxsi %get3A_511, %max3A_519 : vector<16xi32>
      %min3A_521 = arith.constant 511 : i32
      %min3A_522 = vector.broadcast %min3A_521 : i32 to vector<16xi32>
      %min3A_523 = arith.minsi %max3A_520, %min3A_522 : vector<16xi32>
      %mul3A_524 = arith.constant 512 : i32
      %mul3A_525 = vector.broadcast %mul3A_524 : i32 to vector<16xi32>
      %mul3A_526 = arith.muli %min3A_517, %mul3A_525 : vector<16xi32>
      %add3A_527 = arith.addi %mul3A_526, %min3A_523 : vector<16xi32>
      %add3A_528 = arith.constant 262144 : i32
      %add3A_529 = vector.broadcast %add3A_528 : i32 to vector<16xi32>
      %add3A_530 = arith.addi %add3A_527, %add3A_529 : vector<16xi32>
      %swap3A_531 = arith.constant 1 : i32
      %swap3A_532 = arith.index_cast %swap3A_531 : i32 to index
      %swap3A_533 = arith.index_cast %add3A_116 : i32 to index
      %swap3A_534 = arith.constant 112 : index
      %swap3A_535 = tpu.vector_load %arg10[%swap3A_532, %swap3A_533, %swap3A_534] {strides = array<i32>} : memref<2x49x128xi32, #tpu.memory_space<vmem>>, vector<1x1x16xi32>,
      %swap3A_536 = vector.shape_cast %swap3A_535 : vector<1x1x16xi32> to vector<16xi32>
      %swap3A_537 = vector.shape_cast %add3A_530 : vector<16xi32> to vector<1x1x16xi32>
      tpu.vector_store %arg10[%swap3A_532, %swap3A_533, %swap3A_534], %swap3A_537 {strides = array<i32>} : memref<2x49x128xi32, #tpu.memory_space<vmem>>, vector<1x1x16xi32>,
      %get3A_538 = arith.index_cast %add3A_505 : i32 to index
      %get3A_539 = tpu.vector_load %arg6[%get3A_538] {strides = array<i32>} : memref<6272xf32, #tpu.memory_space<vmem>>, vector<16xf32>,
      %get3A_540 = vector.shape_cast %get3A_539 : vector<16xf32> to vector<16xf32>
      %neg3A_541 = arith.constant 0.000000e+00 : f32
      %neg3A_542 = vector.broadcast %neg3A_541 : f32 to vector<16xf32>
      %neg3A_543 = arith.subf %neg3A_542, %get3A_540 : vector<16xf32>
      %exp3A_544 = math.exp %neg3A_543 : vector<16xf32>
      %add3A_545 = arith.constant 1.000000e+00 : f32
      %add3A_546 = vector.broadcast %add3A_545 : f32 to vector<16xf32>
      %add3A_547 = arith.addf %add3A_546, %exp3A_544 : vector<16xf32>
      %div3A_548 = arith.constant 1.000000e+00 : f32
      %div3A_549 = vector.broadcast %div3A_548 : f32 to vector<16xf32>
      %div3A_550 = arith.divf %div3A_549, %add3A_547 : vector<16xf32>
      %swap3A_551 = arith.constant 1 : i32
      %swap3A_552 = arith.index_cast %swap3A_551 : i32 to index
      %swap3A_553 = arith.index_cast %add3A_116 : i32 to index
      %swap3A_554 = arith.constant 112 : index
      %swap3A_555 = tpu.vector_load %arg9[%swap3A_552, %swap3A_553, %swap3A_554] {strides = array<i32>} : memref<2x49x128xf32, #tpu.memory_space<vmem>>, vector<1x1x16xf32>,
      %swap3A_556 = vector.shape_cast %swap3A_555 : vector<1x1x16xf32> to vector<16xf32>
      %swap3A_557 = vector.shape_cast %div3A_550 : vector<16xf32> to vector<1x1x16xf32>
      tpu.vector_store %arg9[%swap3A_552, %swap3A_553, %swap3A_554], %swap3A_557 {strides = array<i32>} : memref<2x49x128xf32, #tpu.memory_space<vmem>>, vector<1x1x16xf32>,
    }
    %scan3A_98 = arith.constant 49 : i32
    %scan3A_99 = arith.constant 0 : i32
    %scan3A_100 = arith.constant 49 : i32
    %scan3A_101 = arith.addi %scan3A_99, %scan3A_100 : i32
    %scan3A_102 = arith.constant 1 : i32
    scf.for %scan3A_112 = %scan3A_99 to %scan3A_101 step %scan3A_102  : i32 {
      %mul3A_113 = arith.constant 1 : i32
      %mul3A_114 = arith.muli %scan3A_112, %mul3A_113 : i32
      %add3A_115 = arith.constant 0 : i32
      %add3A_116 = arith.addi %add3A_115, %mul3A_114 : i32
      %run_scoped3A = arith.constant 1 : i32
      %run_scoped3A_117 = arith.constant 1 : i32
      "tpu.region"() ({
        %run_scoped3A_118 = tpu.sem_alloc : memref<!tpu.dma_semaphore, #tpu.memory_space<semaphore_mem>>
        %dma_start3A = arith.constant 0 : i32
        %dma_start3A_119 = tpu.memref_slice %arg9[%run_scoped3A, %add3A_116, %dma_start3A] : memref<2x49x128xf32, #tpu.memory_space<vmem>> -> memref<1x1x128xf32, #tpu.memory_space<vmem>>
        %dma_start3A_120 = tpu.memref_squeeze %dma_start3A_119 : memref<1x1x128xf32, #tpu.memory_space<vmem>> -> memref<128xf32, #tpu.memory_space<vmem>>
        %dma_start3A_121 = arith.constant 0 : i32
        %dma_start3A_122 = tpu.memref_slice %arg10[%run_scoped3A_117, %add3A_116, %dma_start3A_121] : memref<2x49x128xi32, #tpu.memory_space<vmem>> -> memref<1x1x128xi32, #tpu.memory_space<vmem>>
        %dma_start3A_123 = tpu.memref_squeeze %dma_start3A_122 : memref<1x1x128xi32, #tpu.memory_space<vmem>> -> memref<128xi32, #tpu.memory_space<vmem>>
        %dma_start3A_124 = arith.constant 0 : i32
        %dma_start3A_125 = tpu.memref_slice %arg12[%dma_start3A_124] : memref<524288xf32, #tpu.memory_space<vmem_shared>> -> memref<524288xf32, #tpu.memory_space<vmem_shared>>
        tpu.enqueue_indirect_dma source(%dma_start3A_120 : memref<128xf32, #tpu.memory_space<vmem>>) target(%dma_start3A_125 : memref<524288xf32, #tpu.memory_space<vmem_shared>>) offsets(%dma_start3A_123 : memref<128xi32, #tpu.memory_space<vmem>>) semaphore(%run_scoped3A_118 : memref<!tpu.dma_semaphore, #tpu.memory_space<semaphore_mem>>) {add = true}
        %dma_wait3A = arith.constant 0 : i32
        %dma_wait3A_126 = tpu.memref_slice %arg9[%run_scoped3A, %add3A_116, %dma_wait3A] : memref<2x49x128xf32, #tpu.memory_space<vmem>> -> memref<1x1x128xf32, #tpu.memory_space<vmem>>
        %dma_wait3A_127 = tpu.memref_squeeze %dma_wait3A_126 : memref<1x1x128xf32, #tpu.memory_space<vmem>> -> memref<128xf32, #tpu.memory_space<vmem>>
        %dma_wait3A_128 = arith.constant 0 : i32
        %dma_wait3A_129 = tpu.memref_slice %arg10[%run_scoped3A_117, %add3A_116, %dma_wait3A_128] : memref<2x49x128xi32, #tpu.memory_space<vmem>> -> memref<1x1x128xi32, #tpu.memory_space<vmem>>
        %dma_wait3A_130 = tpu.memref_squeeze %dma_wait3A_129 : memref<1x1x128xi32, #tpu.memory_space<vmem>> -> memref<128xi32, #tpu.memory_space<vmem>>
        %dma_wait3A_131 = arith.constant 0 : i32
        %dma_wait3A_132 = tpu.memref_slice %arg12[%dma_wait3A_131] : memref<524288xf32, #tpu.memory_space<vmem_shared>> -> memref<524288xf32, #tpu.memory_space<vmem_shared>>
        tpu.wait_indirect_dma semaphore(%run_scoped3A_118 : memref<!tpu.dma_semaphore, #tpu.memory_space<semaphore_mem>>) src(%dma_wait3A_127 : memref<128xf32, #tpu.memory_space<vmem>>) dst(%dma_wait3A_132 : memref<524288xf32, #tpu.memory_space<vmem_shared>>)
        tpu.yield
      }) : () -> ()
    }
    %scan3A_103 = arith.constant 49 : i32
    %barrier3A_104 = arith.constant 0 : index
    tpu.barrier barrier_id(%barrier3A_104)
    %mul3A_105 = arith.constant 524288 : i32
    %mul3A_106 = arith.muli %arg0, %mul3A_105 : i32
    %mul3A_107 = arith.constant 32768 : i32
    %mul3A_108 = arith.muli %arg1, %mul3A_107 : i32
    %add3A_109 = arith.addi %mul3A_106, %mul3A_108 : i32
    %mul3A_110 = arith.constant 32768 : i32
    %mul3A_111 = arith.muli %arg1, %mul3A_110 : i32
    "tpu.region"() ({
      %run_scoped3A = tpu.sem_alloc : memref<!tpu.dma_semaphore, #tpu.memory_space<semaphore_mem>>
      %dma_start3A = tpu.memref_slice %arg5[%add3A_109] : memref<1048576xf32, #tpu.memory_space<hbm>> -> memref<32768xf32, #tpu.memory_space<hbm>>
      %dma_start3A_112 = tpu.memref_slice %arg12[%mul3A_111] : memref<524288xf32, #tpu.memory_space<vmem_shared>> -> memref<32768xf32, #tpu.memory_space<vmem_shared>>
      tpu.enqueue_dma source(%dma_start3A_112 : memref<32768xf32, #tpu.memory_space<vmem_shared>>) target(%dma_start3A : memref<32768xf32, #tpu.memory_space<hbm>>) target_semaphore(%run_scoped3A : memref<!tpu.dma_semaphore, #tpu.memory_space<semaphore_mem>>)
      %dma_wait3A = tpu.memref_slice %arg5[%add3A_109] : memref<1048576xf32, #tpu.memory_space<hbm>> -> memref<32768xf32, #tpu.memory_space<hbm>>
      %dma_wait3A_113 = tpu.memref_slice %arg12[%mul3A_111] : memref<524288xf32, #tpu.memory_space<vmem_shared>> -> memref<32768xf32, #tpu.memory_space<vmem_shared>>
      tpu.wait_dma2 semaphore(%run_scoped3A : memref<!tpu.dma_semaphore, #tpu.memory_space<semaphore_mem>>) src(%dma_wait3A_113 : memref<32768xf32, #tpu.memory_space<vmem_shared>>) dst(%dma_wait3A : memref<32768xf32, #tpu.memory_space<hbm>>)
      tpu.yield
    }) : () -> ()
    return
  }
}

module attributes {stable_mosaic.version = 14 : i64} {
  func.func @_tc_nspace_body(%arg0: memref<4x100000xf32, #tpu.memory_space<vmem>>, %arg1: memref<4x100000xf32, #tpu.memory_space<vmem>>, %arg2: memref<4x100000xf32, #tpu.memory_space<vmem>>, %arg3: memref<4x100000xf32, #tpu.memory_space<vmem>>, %arg4: memref<4x100000xf32, #tpu.memory_space<vmem>>, %arg5: memref<4x100000xf32, #tpu.memory_space<vmem>>, %arg6: memref<4x128xf32, #tpu.memory_space<vmem>>) attributes {dimension_semantics = [], scalar_prefetch = 0 : i64, scratch_operands = 0 : i64, tpu.core_type = #tpu.core_type<tc>} {
    %get3A = arith.constant 0 : index
    %get3A_0 = arith.constant 0 : index
    %get3A_1 = vector.load %arg0[%get3A, %get3A_0] : memref<4x100000xf32, #tpu.memory_space<vmem>>, vector<4x100000xf32>
    %get3A_2 = arith.constant 0 : index
    %get3A_3 = arith.constant 0 : index
    %get3A_4 = vector.load %arg1[%get3A_2, %get3A_3] : memref<4x100000xf32, #tpu.memory_space<vmem>>, vector<4x100000xf32>
    %neg3A = arith.constant 0.000000e+00 : f32
    %neg3A_5 = vector.broadcast %neg3A : f32 to vector<4x100000xf32>
    %neg3A_6 = arith.subf %neg3A_5, %get3A_1 : vector<4x100000xf32>
    %exp3A = math.exp %neg3A_6 : vector<4x100000xf32>
    %add3A = arith.constant 1.000000e+00 : f32
    %add3A_7 = vector.broadcast %add3A : f32 to vector<4x100000xf32>
    %add3A_8 = arith.addf %add3A_7, %exp3A : vector<4x100000xf32>
    %div3A = arith.constant 1.000000e+00 : f32
    %div3A_9 = vector.broadcast %div3A : f32 to vector<4x100000xf32>
    %div3A_10 = arith.divf %div3A_9, %add3A_8 : vector<4x100000xf32>
    %max3A = arith.constant 0.000000e+00 : f32
    %max3A_11 = vector.broadcast %max3A : f32 to vector<4x100000xf32>
    %max3A_12 = arith.maximumf %get3A_1, %max3A_11 : vector<4x100000xf32>
    %mul3A = arith.mulf %get3A_1, %get3A_4 : vector<4x100000xf32>
    %sub3A = arith.subf %max3A_12, %mul3A : vector<4x100000xf32>
    %abs3A = math.absf %get3A_1 : vector<4x100000xf32>
    %neg3A_13 = arith.constant 0.000000e+00 : f32
    %neg3A_14 = vector.broadcast %neg3A_13 : f32 to vector<4x100000xf32>
    %neg3A_15 = arith.subf %neg3A_14, %abs3A : vector<4x100000xf32>
    %exp3A_16 = math.exp %neg3A_15 : vector<4x100000xf32>
    %add3A_17 = arith.constant 1.000000e+00 : f32
    %add3A_18 = vector.broadcast %add3A_17 : f32 to vector<4x100000xf32>
    %add3A_19 = arith.addf %add3A_18, %exp3A_16 : vector<4x100000xf32>
    %log3A = math.log %add3A_19 : vector<4x100000xf32>
    %add3A_20 = arith.addf %sub3A, %log3A : vector<4x100000xf32>
    %reduce_sum3A = arith.constant dense<0.000000e+00> : vector<4xf32>
    %reduce_sum3A_21 = vector.multi_reduction <add>, %add3A_20, %reduce_sum3A [1] : vector<4x100000xf32> to vector<4xf32>
    %broadcast_in_dim3A = vector.shape_cast %reduce_sum3A_21 : vector<4xf32> to vector<4x1xf32>
    %mul3A_22 = arith.mulf %div3A_10, %get3A_4 : vector<4x100000xf32>
    %reduce_sum3A_23 = arith.constant dense<0.000000e+00> : vector<4xf32>
    %reduce_sum3A_24 = vector.multi_reduction <add>, %mul3A_22, %reduce_sum3A_23 [1] : vector<4x100000xf32> to vector<4xf32>
    %broadcast_in_dim3A_25 = vector.shape_cast %reduce_sum3A_24 : vector<4xf32> to vector<4x1xf32>
    %reduce_sum3A_26 = arith.constant dense<0.000000e+00> : vector<4xf32>
    %reduce_sum3A_27 = vector.multi_reduction <add>, %div3A_10, %reduce_sum3A_26 [1] : vector<4x100000xf32> to vector<4xf32>
    %broadcast_in_dim3A_28 = vector.shape_cast %reduce_sum3A_27 : vector<4xf32> to vector<4x1xf32>
    %reduce_sum3A_29 = arith.constant dense<0.000000e+00> : vector<4xf32>
    %reduce_sum3A_30 = vector.multi_reduction <add>, %get3A_4, %reduce_sum3A_29 [1] : vector<4x100000xf32> to vector<4xf32>
    %broadcast_in_dim3A_31 = vector.shape_cast %reduce_sum3A_30 : vector<4xf32> to vector<4x1xf32>
    %get3A_32 = arith.constant 0 : index
    %get3A_33 = arith.constant 0 : index
    %get3A_34 = vector.load %arg2[%get3A_32, %get3A_33] : memref<4x100000xf32, #tpu.memory_space<vmem>>, vector<4x100000xf32>
    %sub3A_35 = arith.constant 1.000000e+00 : f32
    %sub3A_36 = vector.broadcast %sub3A_35 : f32 to vector<4x100000xf32>
    %sub3A_37 = arith.subf %sub3A_36, %get3A_34 : vector<4x100000xf32>
    %get3A_38 = arith.constant 0 : index
    %get3A_39 = arith.constant 0 : index
    %get3A_40 = vector.load %arg3[%get3A_38, %get3A_39] : memref<4x100000xf32, #tpu.memory_space<vmem>>, vector<4x100000xf32>
    %max3A_41 = arith.constant 0.000000e+00 : f32
    %max3A_42 = vector.broadcast %max3A_41 : f32 to vector<4x100000xf32>
    %max3A_43 = arith.maximumf %get3A_40, %max3A_42 : vector<4x100000xf32>
    %add3A_44 = arith.addf %sub3A_37, %max3A_43 : vector<4x100000xf32>
    %get3A_45 = arith.constant 0 : index
    %get3A_46 = arith.constant 0 : index
    %get3A_47 = vector.load %arg4[%get3A_45, %get3A_46] : memref<4x100000xf32, #tpu.memory_space<vmem>>, vector<4x100000xf32>
    %sub3A_48 = arith.constant 1.000000e+00 : f32
    %sub3A_49 = vector.broadcast %sub3A_48 : f32 to vector<4x100000xf32>
    %sub3A_50 = arith.subf %sub3A_49, %get3A_47 : vector<4x100000xf32>
    %add3A_51 = arith.addf %add3A_44, %sub3A_50 : vector<4x100000xf32>
    %get3A_52 = arith.constant 0 : index
    %get3A_53 = arith.constant 0 : index
    %get3A_54 = vector.load %arg5[%get3A_52, %get3A_53] : memref<4x100000xf32, #tpu.memory_space<vmem>>, vector<4x100000xf32>
    %abs3A_55 = math.absf %get3A_54 : vector<4x100000xf32>
    %add3A_56 = arith.addf %add3A_51, %abs3A_55 : vector<4x100000xf32>
    %mul3A_57 = arith.mulf %div3A_10, %add3A_56 : vector<4x100000xf32>
    %reduce_sum3A_58 = arith.constant dense<0.000000e+00> : vector<4xf32>
    %reduce_sum3A_59 = vector.multi_reduction <add>, %mul3A_57, %reduce_sum3A_58 [1] : vector<4x100000xf32> to vector<4xf32>
    %broadcast_in_dim3A_60 = vector.shape_cast %reduce_sum3A_59 : vector<4xf32> to vector<4x1xf32>
    %iota3A = tpu.iota {dimensions = array<i32: 1>} : vector<4x128xi32>
    %eq3A = arith.constant 0 : i32
    %eq3A_61 = vector.broadcast %eq3A : i32 to vector<4x128xi32>
    %eq3A_62 = arith.cmpi eq, %iota3A, %eq3A_61 : vector<4x128xi32>
    %jit3A = arith.constant 0.000000e+00 : f32
    %broadcast_in_dim3A_63 = vector.shape_cast %broadcast_in_dim3A : vector<4x1xf32> to vector<4x1xf32>
    %broadcast_in_dim3A_64 = vector.broadcast %broadcast_in_dim3A_63 : vector<4x1xf32> to vector<4x128xf32>
    %broadcast_in_dim3A_65 = vector.broadcast %jit3A : f32 to vector<4x128xf32>
    %select_n3A = arith.select %eq3A_62, %broadcast_in_dim3A_64, %broadcast_in_dim3A_65 : vector<4x128xi1>, vector<4x128xf32>
    %eq3A_66 = arith.constant 1 : i32
    %eq3A_67 = vector.broadcast %eq3A_66 : i32 to vector<4x128xi32>
    %eq3A_68 = arith.cmpi eq, %iota3A, %eq3A_67 : vector<4x128xi32>
    %jit3A_69 = arith.constant 0.000000e+00 : f32
    %broadcast_in_dim3A_70 = vector.shape_cast %broadcast_in_dim3A_25 : vector<4x1xf32> to vector<4x1xf32>
    %broadcast_in_dim3A_71 = vector.broadcast %broadcast_in_dim3A_70 : vector<4x1xf32> to vector<4x128xf32>
    %broadcast_in_dim3A_72 = vector.broadcast %jit3A_69 : f32 to vector<4x128xf32>
    %select_n3A_73 = arith.select %eq3A_68, %broadcast_in_dim3A_71, %broadcast_in_dim3A_72 : vector<4x128xi1>, vector<4x128xf32>
    %add3A_74 = arith.addf %select_n3A, %select_n3A_73 : vector<4x128xf32>
    %eq3A_75 = arith.constant 2 : i32
    %eq3A_76 = vector.broadcast %eq3A_75 : i32 to vector<4x128xi32>
    %eq3A_77 = arith.cmpi eq, %iota3A, %eq3A_76 : vector<4x128xi32>
    %jit3A_78 = arith.constant 0.000000e+00 : f32
    %broadcast_in_dim3A_79 = vector.shape_cast %broadcast_in_dim3A_28 : vector<4x1xf32> to vector<4x1xf32>
    %broadcast_in_dim3A_80 = vector.broadcast %broadcast_in_dim3A_79 : vector<4x1xf32> to vector<4x128xf32>
    %broadcast_in_dim3A_81 = vector.broadcast %jit3A_78 : f32 to vector<4x128xf32>
    %select_n3A_82 = arith.select %eq3A_77, %broadcast_in_dim3A_80, %broadcast_in_dim3A_81 : vector<4x128xi1>, vector<4x128xf32>
    %add3A_83 = arith.addf %add3A_74, %select_n3A_82 : vector<4x128xf32>
    %eq3A_84 = arith.constant 3 : i32
    %eq3A_85 = vector.broadcast %eq3A_84 : i32 to vector<4x128xi32>
    %eq3A_86 = arith.cmpi eq, %iota3A, %eq3A_85 : vector<4x128xi32>
    %jit3A_87 = arith.constant 0.000000e+00 : f32
    %broadcast_in_dim3A_88 = vector.shape_cast %broadcast_in_dim3A_31 : vector<4x1xf32> to vector<4x1xf32>
    %broadcast_in_dim3A_89 = vector.broadcast %broadcast_in_dim3A_88 : vector<4x1xf32> to vector<4x128xf32>
    %broadcast_in_dim3A_90 = vector.broadcast %jit3A_87 : f32 to vector<4x128xf32>
    %select_n3A_91 = arith.select %eq3A_86, %broadcast_in_dim3A_89, %broadcast_in_dim3A_90 : vector<4x128xi1>, vector<4x128xf32>
    %add3A_92 = arith.addf %add3A_83, %select_n3A_91 : vector<4x128xf32>
    %eq3A_93 = arith.constant 4 : i32
    %eq3A_94 = vector.broadcast %eq3A_93 : i32 to vector<4x128xi32>
    %eq3A_95 = arith.cmpi eq, %iota3A, %eq3A_94 : vector<4x128xi32>
    %jit3A_96 = arith.constant 0.000000e+00 : f32
    %broadcast_in_dim3A_97 = vector.shape_cast %broadcast_in_dim3A_60 : vector<4x1xf32> to vector<4x1xf32>
    %broadcast_in_dim3A_98 = vector.broadcast %broadcast_in_dim3A_97 : vector<4x1xf32> to vector<4x128xf32>
    %broadcast_in_dim3A_99 = vector.broadcast %jit3A_96 : f32 to vector<4x128xf32>
    %select_n3A_100 = arith.select %eq3A_95, %broadcast_in_dim3A_98, %broadcast_in_dim3A_99 : vector<4x128xi1>, vector<4x128xf32>
    %add3A_101 = arith.addf %add3A_92, %select_n3A_100 : vector<4x128xf32>
    %swap3A = arith.constant 0 : index
    %swap3A_102 = arith.constant 0 : index
    %swap3A_103 = vector.load %arg6[%swap3A, %swap3A_102] : memref<4x128xf32, #tpu.memory_space<vmem>>, vector<4x128xf32>
    tpu.vector_store %arg6[%swap3A, %swap3A_102], %add3A_101 {strides = array<i32>} : memref<4x128xf32, #tpu.memory_space<vmem>>, vector<4x128xf32>,
    return
  }
}

module attributes {stable_mosaic.version = 14 : i64} {
  func.func @_tc_max_body(%arg0: memref<4x262144xf32, #tpu.memory_space<vmem>>, %arg1: memref<4x128xf32, #tpu.memory_space<vmem>>) attributes {dimension_semantics = [], scalar_prefetch = 0 : i64, scratch_operands = 0 : i64, tpu.core_type = #tpu.core_type<tc>} {
    %get3A = arith.constant 0 : index
    %get3A_0 = arith.constant 0 : index
    %get3A_1 = vector.load %arg0[%get3A, %get3A_0] : memref<4x262144xf32, #tpu.memory_space<vmem>>, vector<4x262144xf32>
    %reduce_max3A = arith.constant dense<0xFF800000> : vector<4xf32>
    %reduce_max3A_2 = vector.multi_reduction <maximumf>, %get3A_1, %reduce_max3A [1] : vector<4x262144xf32> to vector<4xf32>
    %broadcast_in_dim3A = vector.shape_cast %reduce_max3A_2 : vector<4xf32> to vector<4x1xf32>
    %max3A = arith.constant 1.000000e+00 : f32
    %max3A_3 = vector.broadcast %max3A : f32 to vector<4x1xf32>
    %max3A_4 = arith.maximumf %broadcast_in_dim3A, %max3A_3 : vector<4x1xf32>
    %broadcast_in_dim3A_5 = vector.shape_cast %max3A_4 : vector<4x1xf32> to vector<4x1xf32>
    %broadcast_in_dim3A_6 = vector.broadcast %broadcast_in_dim3A_5 : vector<4x1xf32> to vector<4x128xf32>
    %swap3A = arith.constant 0 : index
    %swap3A_7 = arith.constant 0 : index
    %swap3A_8 = vector.load %arg1[%swap3A, %swap3A_7] : memref<4x128xf32, #tpu.memory_space<vmem>>, vector<4x128xf32>
    tpu.vector_store %arg1[%swap3A, %swap3A_7], %broadcast_in_dim3A_6 {strides = array<i32>} : memref<4x128xf32, #tpu.memory_space<vmem>>, vector<4x128xf32>,
    return
  }
}

module attributes {stable_mosaic.version = 14 : i64} {
  func.func @_tc_image_body(%arg0: i32, %arg1: memref<4x32768xf32, #tpu.memory_space<vmem>>, %arg2: memref<4x32768xf32, #tpu.memory_space<vmem>>, %arg3: memref<4x128xf32, #tpu.memory_space<vmem>>, %arg4: memref<4x128xf32, #tpu.memory_space<vmem>>) attributes {dimension_semantics = [#tpu.dimension_semantics<arbitrary>], iteration_bounds = array<i64: 8>, scalar_prefetch = 0 : i64, scratch_operands = 0 : i64, tpu.core_type = #tpu.core_type<tc>, window_params = [{transform_indices = @transform_0, window_bounds = array<i64: 4, 32768>}, {transform_indices = @transform_1, window_bounds = array<i64: 4, 32768>}, {pipeline_mode = #tpu.pipeline_mode<synchronous>, transform_indices = @transform_2, window_bounds = array<i64: 4, 128>}, {pipeline_mode = #tpu.pipeline_mode<synchronous>, transform_indices = @transform_3, window_bounds = array<i64: 4, 128>}]} {
    %eq3A = arith.constant 0 : i32
    %eq3A_0 = arith.cmpi eq, %arg0, %eq3A : i32
    %convert_element_type3A = arith.extui %eq3A_0 : i1 to i32
    %cond3A = arith.constant 0 : i32
    %cond3A_1 = arith.cmpi ne, %convert_element_type3A, %cond3A : i32
    scf.if %cond3A_1 {
      %broadcast_in_dim3A_80 = arith.constant 0.000000e+00 : f32
      %broadcast_in_dim3A_81 = vector.broadcast %broadcast_in_dim3A_80 : f32 to vector<4x128xf32>
      %swap3A_82 = arith.constant 0 : index
      %swap3A_83 = arith.constant 0 : index
      %swap3A_84 = vector.load %arg4[%swap3A_82, %swap3A_83] : memref<4x128xf32, #tpu.memory_space<vmem>>, vector<4x128xf32>
      tpu.vector_store %arg4[%swap3A_82, %swap3A_83], %broadcast_in_dim3A_81 {strides = array<i32>} : memref<4x128xf32, #tpu.memory_space<vmem>>, vector<4x128xf32>,
    } else {
    }
    %get3A = arith.constant 0 : index
    %get3A_2 = arith.constant 0 : index
    %get3A_3 = vector.load %arg1[%get3A, %get3A_2] : memref<4x32768xf32, #tpu.memory_space<vmem>>, vector<4x32768xf32>
    %get3A_4 = arith.constant 0 : index
    %get3A_5 = arith.constant 0 : index
    %get3A_6 = vector.load %arg2[%get3A_4, %get3A_5] : memref<4x32768xf32, #tpu.memory_space<vmem>>, vector<4x32768xf32>
    %get3A_7 = arith.constant 0 : index
    %get3A_8 = arith.constant 0 : index
    %get3A_9 = vector.load %arg3[%get3A_7, %get3A_8] : memref<4x128xf32, #tpu.memory_space<vmem>>, vector<4x1xf32>
    %div3A = vector.broadcast %get3A_9 : vector<4x1xf32> to vector<4x32768xf32>
    %div3A_10 = arith.divf %get3A_3, %div3A : vector<4x32768xf32>
    %jit3A = arith.constant 9.99999996E-13 : f32
    %jit3A_11 = arith.constant 1.000000e+00 : f32
    %max3A = vector.broadcast %jit3A : f32 to vector<4x32768xf32>
    %max3A_12 = arith.maximumf %max3A, %div3A_10 : vector<4x32768xf32>
    %min3A = vector.broadcast %jit3A_11 : f32 to vector<4x32768xf32>
    %min3A_13 = arith.minimumf %min3A, %max3A_12 : vector<4x32768xf32>
    %log3A = math.log %min3A_13 : vector<4x32768xf32>
    %max3A_14 = arith.constant -1.000000e+02 : f32
    %max3A_15 = vector.broadcast %max3A_14 : f32 to vector<4x32768xf32>
    %max3A_16 = arith.maximumf %log3A, %max3A_15 : vector<4x32768xf32>
    %sub3A = arith.constant 1.000000e+00 : f32
    %sub3A_17 = vector.broadcast %sub3A : f32 to vector<4x32768xf32>
    %sub3A_18 = arith.subf %sub3A_17, %min3A_13 : vector<4x32768xf32>
    %log3A_19 = math.log %sub3A_18 : vector<4x32768xf32>
    %max3A_20 = arith.constant -1.000000e+02 : f32
    %max3A_21 = vector.broadcast %max3A_20 : f32 to vector<4x32768xf32>
    %max3A_22 = arith.maximumf %log3A_19, %max3A_21 : vector<4x32768xf32>
    %mul3A = arith.mulf %get3A_6, %max3A_16 : vector<4x32768xf32>
    %sub3A_23 = arith.constant 1.000000e+00 : f32
    %sub3A_24 = vector.broadcast %sub3A_23 : f32 to vector<4x32768xf32>
    %sub3A_25 = arith.subf %sub3A_24, %get3A_6 : vector<4x32768xf32>
    %mul3A_26 = arith.mulf %sub3A_25, %max3A_22 : vector<4x32768xf32>
    %add3A = arith.addf %mul3A, %mul3A_26 : vector<4x32768xf32>
    %neg3A = arith.constant 0.000000e+00 : f32
    %neg3A_27 = vector.broadcast %neg3A : f32 to vector<4x32768xf32>
    %neg3A_28 = arith.subf %neg3A_27, %add3A : vector<4x32768xf32>
    %reduce_sum3A = arith.constant dense<0.000000e+00> : vector<4xf32>
    %reduce_sum3A_29 = vector.multi_reduction <add>, %neg3A_28, %reduce_sum3A [1] : vector<4x32768xf32> to vector<4xf32>
    %broadcast_in_dim3A = vector.shape_cast %reduce_sum3A_29 : vector<4xf32> to vector<4x1xf32>
    %mul3A_30 = arith.mulf %get3A_3, %get3A_6 : vector<4x32768xf32>
    %reduce_sum3A_31 = arith.constant dense<0.000000e+00> : vector<4xf32>
    %reduce_sum3A_32 = vector.multi_reduction <add>, %mul3A_30, %reduce_sum3A_31 [1] : vector<4x32768xf32> to vector<4xf32>
    %broadcast_in_dim3A_33 = vector.shape_cast %reduce_sum3A_32 : vector<4xf32> to vector<4x1xf32>
    %reduce_sum3A_34 = arith.constant dense<0.000000e+00> : vector<4xf32>
    %reduce_sum3A_35 = vector.multi_reduction <add>, %get3A_3, %reduce_sum3A_34 [1] : vector<4x32768xf32> to vector<4xf32>
    %broadcast_in_dim3A_36 = vector.shape_cast %reduce_sum3A_35 : vector<4xf32> to vector<4x1xf32>
    %reduce_sum3A_37 = arith.constant dense<0.000000e+00> : vector<4xf32>
    %reduce_sum3A_38 = vector.multi_reduction <add>, %get3A_6, %reduce_sum3A_37 [1] : vector<4x32768xf32> to vector<4xf32>
    %broadcast_in_dim3A_39 = vector.shape_cast %reduce_sum3A_38 : vector<4xf32> to vector<4x1xf32>
    %iota3A = tpu.iota {dimensions = array<i32: 1>} : vector<4x128xi32>
    %get3A_40 = arith.constant 0 : index
    %get3A_41 = arith.constant 0 : index
    %get3A_42 = vector.load %arg4[%get3A_40, %get3A_41] : memref<4x128xf32, #tpu.memory_space<vmem>>, vector<4x128xf32>
    %eq3A_43 = arith.constant 0 : i32
    %eq3A_44 = vector.broadcast %eq3A_43 : i32 to vector<4x128xi32>
    %eq3A_45 = arith.cmpi eq, %iota3A, %eq3A_44 : vector<4x128xi32>
    %jit3A_46 = arith.constant 0.000000e+00 : f32
    %broadcast_in_dim3A_47 = vector.shape_cast %broadcast_in_dim3A : vector<4x1xf32> to vector<4x1xf32>
    %broadcast_in_dim3A_48 = vector.broadcast %broadcast_in_dim3A_47 : vector<4x1xf32> to vector<4x128xf32>
    %broadcast_in_dim3A_49 = vector.broadcast %jit3A_46 : f32 to vector<4x128xf32>
    %select_n3A = arith.select %eq3A_45, %broadcast_in_dim3A_48, %broadcast_in_dim3A_49 : vector<4x128xi1>, vector<4x128xf32>
    %eq3A_50 = arith.constant 1 : i32
    %eq3A_51 = vector.broadcast %eq3A_50 : i32 to vector<4x128xi32>
    %eq3A_52 = arith.cmpi eq, %iota3A, %eq3A_51 : vector<4x128xi32>
    %jit3A_53 = arith.constant 0.000000e+00 : f32
    %broadcast_in_dim3A_54 = vector.shape_cast %broadcast_in_dim3A_33 : vector<4x1xf32> to vector<4x1xf32>
    %broadcast_in_dim3A_55 = vector.broadcast %broadcast_in_dim3A_54 : vector<4x1xf32> to vector<4x128xf32>
    %broadcast_in_dim3A_56 = vector.broadcast %jit3A_53 : f32 to vector<4x128xf32>
    %select_n3A_57 = arith.select %eq3A_52, %broadcast_in_dim3A_55, %broadcast_in_dim3A_56 : vector<4x128xi1>, vector<4x128xf32>
    %add3A_58 = arith.addf %select_n3A, %select_n3A_57 : vector<4x128xf32>
    %eq3A_59 = arith.constant 2 : i32
    %eq3A_60 = vector.broadcast %eq3A_59 : i32 to vector<4x128xi32>
    %eq3A_61 = arith.cmpi eq, %iota3A, %eq3A_60 : vector<4x128xi32>
    %jit3A_62 = arith.constant 0.000000e+00 : f32
    %broadcast_in_dim3A_63 = vector.shape_cast %broadcast_in_dim3A_36 : vector<4x1xf32> to vector<4x1xf32>
    %broadcast_in_dim3A_64 = vector.broadcast %broadcast_in_dim3A_63 : vector<4x1xf32> to vector<4x128xf32>
    %broadcast_in_dim3A_65 = vector.broadcast %jit3A_62 : f32 to vector<4x128xf32>
    %select_n3A_66 = arith.select %eq3A_61, %broadcast_in_dim3A_64, %broadcast_in_dim3A_65 : vector<4x128xi1>, vector<4x128xf32>
    %add3A_67 = arith.addf %add3A_58, %select_n3A_66 : vector<4x128xf32>
    %eq3A_68 = arith.constant 3 : i32
    %eq3A_69 = vector.broadcast %eq3A_68 : i32 to vector<4x128xi32>
    %eq3A_70 = arith.cmpi eq, %iota3A, %eq3A_69 : vector<4x128xi32>
    %jit3A_71 = arith.constant 0.000000e+00 : f32
    %broadcast_in_dim3A_72 = vector.shape_cast %broadcast_in_dim3A_39 : vector<4x1xf32> to vector<4x1xf32>
    %broadcast_in_dim3A_73 = vector.broadcast %broadcast_in_dim3A_72 : vector<4x1xf32> to vector<4x128xf32>
    %broadcast_in_dim3A_74 = vector.broadcast %jit3A_71 : f32 to vector<4x128xf32>
    %select_n3A_75 = arith.select %eq3A_70, %broadcast_in_dim3A_73, %broadcast_in_dim3A_74 : vector<4x128xi1>, vector<4x128xf32>
    %add3A_76 = arith.addf %add3A_67, %select_n3A_75 : vector<4x128xf32>
    %add3A_77 = arith.addf %get3A_42, %add3A_76 : vector<4x128xf32>
    %swap3A = arith.constant 0 : index
    %swap3A_78 = arith.constant 0 : index
    %swap3A_79 = vector.load %arg4[%swap3A, %swap3A_78] : memref<4x128xf32, #tpu.memory_space<vmem>>, vector<4x128xf32>
    tpu.vector_store %arg4[%swap3A, %swap3A_78], %add3A_77 {strides = array<i32>} : memref<4x128xf32, #tpu.memory_space<vmem>>, vector<4x128xf32>,
    return
  }
  func.func @transform_0(%arg0: i32) -> (i32, i32) {
    %c0_i32 = arith.constant 0 : i32
    %c0_i32_0 = arith.constant 0 : i32
    return %c0_i32, %arg0 : i32, i32
  }
  func.func @transform_1(%arg0: i32) -> (i32, i32) {
    %c0_i32 = arith.constant 0 : i32
    %c0_i32_0 = arith.constant 0 : i32
    return %c0_i32, %arg0 : i32, i32
  }
  func.func @transform_2(%arg0: i32) -> (i32, i32) {
    %c0_i32 = arith.constant 0 : i32
    %c0_i32_0 = arith.constant 0 : i32
    %c0_i32_1 = arith.constant 0 : i32
    return %c0_i32, %c0_i32_0 : i32, i32
  }
  func.func @transform_3(%arg0: i32) -> (i32, i32) {
    %c0_i32 = arith.constant 0 : i32
    %c0_i32_0 = arith.constant 0 : i32
    %c0_i32_1 = arith.constant 0 : i32
    return %c0_i32, %c0_i32_0 : i32, i32
  }
}

</mosaic_0001>

<sc_bundles>
// kernel: kernel.6.cloned.1.call-start
scs
__scs_entry_jumppad:
0x0: {  	(pc) =	sbr.rel $0x88, $3  }
0x1: {  	(tag) =	ssettag $0x0;
	lr =	simm.s32 $0x1  }
0x2: {  	[smem:$0x3F99] =	sst lr;
	_ =	strace $0xD0000000  }
0x3: {  	_ = 	snop  }
0x4: {  	_ = 	snop  }
0x5: {  	_ = 	snop  }
0x6: {  	_ = 	snop  }
0x7: {  	_ = 	snop  }
__scs_overlays_trampoline_lowered:
0x8: {  	[smem:$0x3FA8] =	sst s0  }
0x9: {  	[smem:$0x3FA9] =	sst s1  }
0xa: {  	[smem:$0x3FAA] =	sst s2  }
0xb: {  	[smem:$0x3FAB] =	sst s3  }
0xc: {  	[smem:$0x3FAC] =	sst s4  }
0xd: {  	[smem:$0x3FAD] =	sst s5  }
0xe: {  	[smem:$0x3FAE] =	sst s6  }
0xf: {  	[smem:$0x3FAF] =	sst s7  }
0x10: {  	[smem:$0x3FB0] =	sst s8  }
0x11: {  	[smem:$0x3FB1] =	sst s9;
	s0 =	simm.s32 @!p0 $0x0  }
0x12: {  	s1 =	sld [smem:$0x3F97];
	s0 =	simm.s32 @p0 $0x1  }
0x13: {  	[smem:$0x3FB2] =	sst s0;
	s0 =	simm.s32 @!p1 $0x0  }
0x14: {  	s2 =	sld [smem:$0x3F96];
	s0 =	simm.s32 @p1 $0x1  }
0x15: {  	[smem:$0x3FB3] =	sst s0;
	s0 =	simm.s32 @!p2 $0x0  }
0x16: {  	s3 =	sld [smem:$0x3FDB];
	s0 =	simm.s32 @p2 $0x1  }
0x17: {  	s4 =	simm.s32 $0x1BF5;
	[smem:$0x3FB5] =	sst s0  }
0x18: {  	s0 =	sld [smem:$0x3F98];
	_ =	swait.ge [sflag:s4], $0x0  }
0x19: {  	s7 =	sld [smem:$0x3F99]  }
0x1a: {  	s8 =	sadd.s32 $0xFFFFE003, lr  }
0x1b: {  	s9 =	sadd.s32 $0xFFFFFEF7, lr;
	s5 =	simm.s32 $0xFFFFFFFF;
	p2 =	slt.u32 s8, $0xFFFFF086  }
0x1c: {  	p1 =	slt.u32 s9, $0xF7A;
	s5 =	simm.s32 @!p2 $0x0  }
0x1d: {  	s5 =	simm.s32 @p1 $0x1;
	p0 =	seq.s32 s7, s2  }
0x1e: {  	s7 =	smul.u32 @!p0 $0xF7A, s2;
	p2 =	seq.s32 @!p0 s5, $0x0  }
0x1f: {  	s9 =	smul.u32 $0xF7A, s1;
	s8 =	simm.s32 @!p0 $0x1BF5;
	p2 =	por !p2, p0  }
0x20: {  	[sflag:s8] =	ssyncset.s32 @!p0 $0xFFFFF086;
	s6 =	sadd.s32 @!p0 s3, s7;
	s7 =	simm.s32 @!p0 $0x108  }
0x21: {  	s3 =	sadd.s32 s3, s9;
	s6 =	sadd.s32 @!p0 $0x88, s6;
	s7 =	simm.s32 @p2 $0x1082  }
0x22: {  	[simem:s7], [sflag:s8] =	dma.local @!p0 [hbm:s6], $0xF7A  }
0x23: {  	s9 =	sor.u32 $0xD0000000, s2;
	s6 =	simm.s32 $0x108;
	_ =	swait.ge @!p0 [sflag:s8], $0x0  }
0x24: {  	s3 =	sadd.s32 $0x88, s3;
	s6 =	simm.s32 @!p1 $0x1082;
	[sflag:s4] =	ssyncset.s32 $0xFFFFF086  }
0x25: {  	[simem:s6], [sflag:s4] =	dma.local [hbm:s3], $0xF7A  }
0x26: {  	[smem:$0x3F99] =	sst s1;
	(tag) =	ssettag s2;
	_ =	strace s9  }
0x27: {  	s1 =	sld [smem:$0x3FA9]  }
0x28: {  	s2 =	sld [smem:$0x3FAA]  }
0x29: {  	s4 =	sld [smem:$0x3FAC]  }
0x2a: {  	p0 =	seq.s32 s5, $0x0;
	s5 =	sld [smem:$0x3FAD]  }
0x2b: {  	s6 =	sld [smem:$0x3FAE]  }
0x2c: {  	s7 =	sld [smem:$0x3FAF]  }
0x2d: {  	s3 =	simm.s32 $0x108;
	s8 =	sld [smem:$0x3FB0]  }
0x2e: {  	s3 =	simm.s32 @!p0 $0x1082;
	s9 =	sld [smem:$0x3FB1]  }
0x2f: {  	lr =	sadd.s32 s0, s3;
	s0 =	sld [smem:$0x3FA8]  }
0x30: {  	s3 =	sld [smem:$0x3FAB]  }
0x31: {  	[smem:$0x3FB4] =	sst s10  }
0x32: {  	s10 =	sld [smem:$0x3FB2];
	_ =	sdelay $0x3  }
0x33: {  	p0 =	seq.s32 s10, $0x1;
	s10 =	sld [smem:$0x3FB4];
	_ =	sdelay $0x3  }
0x34: {  	[smem:$0x3FB4] =	sst s10  }
0x35: {  	s10 =	sld [smem:$0x3FB3];
	_ =	sdelay $0x3  }
0x36: {  	p1 =	seq.s32 s10, $0x1;
	s10 =	sld [smem:$0x3FB4];
	_ =	sdelay $0x3  }
0x37: {  	[smem:$0x3FB4] =	sst s10  }
0x38: {  	s10 =	sld [smem:$0x3FB5]  }
0x39: {  	_ = 	snop;
	(pc) =	sbr.ind lr, $3  }
0x3a: {  	_ = 	snop  }
0x3b: {  	_ = 	snop  }
0x3c: {  	p2 =	seq.s32 s10, $0x1;
	s10 =	sld [smem:$0x3FB4]  }
0x3d: {  	_ =	shalt  }
0x3e: {  	_ =	shalt  }
0x3f: {  	_ =	shalt  }
0x40: {  	_ =	shalt  }
0x41: {  	_ =	shalt  }
0x42: {  	_ =	shalt  }
0x43: {  	_ =	shalt  }
0x44: {  	_ =	shalt  }
0x45: {  	_ =	shalt  }
0x46: {  	_ =	shalt  }
0x47: {  	_ =	shalt  }
0x48: {  	_ =	shalt  }
0x49: {  	_ =	shalt  }
0x4a: {  	_ =	shalt  }
0x4b: {  	_ =	shalt  }
0x4c: {  	_ =	shalt  }
0x4d: {  	_ =	shalt  }
0x4e: {  	_ =	shalt  }
0x4f: {  	_ =	shalt  }
0x50: {  	_ =	shalt  }
0x51: {  	_ =	shalt  }
0x52: {  	_ =	shalt  }
0x53: {  	_ =	shalt  }
0x54: {  	_ =	shalt  }
0x55: {  	_ =	shalt  }
0x56: {  	_ =	shalt  }
0x57: {  	_ =	shalt  }
0x58: {  	_ =	shalt  }
0x59: {  	_ =	shalt  }
0x5a: {  	_ =	shalt  }
0x5b: {  	_ =	shalt  }
0x5c: {  	_ =	shalt  }
0x5d: {  	_ =	shalt  }
0x5e: {  	_ =	shalt  }
0x5f: {  	_ =	shalt  }
0x60: {  	_ =	shalt  }
0x61: {  	_ =	shalt  }
0x62: {  	_ =	shalt  }
0x63: {  	_ =	shalt  }
0x64: {  	_ =	shalt  }
0x65: {  	_ =	shalt  }
0x66: {  	_ =	shalt  }
0x67: {  	_ =	shalt  }
0x68: {  	_ =	shalt  }
0x69: {  	_ =	shalt  }
0x6a: {  	_ =	shalt  }
0x6b: {  	_ =	shalt  }
0x6c: {  	_ =	shalt  }
0x6d: {  	_ =	shalt  }
0x6e: {  	_ =	shalt  }
0x6f: {  	_ =	shalt  }
0x70: {  	_ =	shalt  }
0x71: {  	_ =	shalt  }
0x72: {  	_ =	shalt  }
0x73: {  	_ =	shalt  }
0x74: {  	_ =	shalt  }
0x75: {  	_ =	shalt  }
0x76: {  	_ =	shalt  }
0x77: {  	_ =	shalt  }
0x78: {  	_ =	shalt  }
0x79: {  	_ =	shalt  }
0x7a: {  	_ =	shalt  }
0x7b: {  	_ =	shalt  }
0x7c: {  	_ =	shalt  }
0x7d: {  	_ =	shalt  }
0x7e: {  	_ =	shalt  }
0x7f: {  	_ =	shalt  }
0x80: {  	_ =	shalt  }
0x81: {  	_ =	shalt  }
0x82: {  	_ =	shalt  }
0x83: {  	_ =	shalt  }
0x84: {  	_ =	shalt  }
0x85: {  	_ =	shalt  }
0x86: {  	_ =	shalt  }
0x87: {  	_ =	shalt  }
.Lfunc_end0:
.L_simem_size_0:
called_computation_lowered:
.L_overlay_start_0:
0x88: {  	s2 =	sld [smem:$0x3FD9]  }
0x89: {  	s3 =	sld [smem:$0x3FFE];
	_ =	sdelay $0x1  }
0x8a: {  	s1 =	srdreg.scid  }
0x8b: {  	s0 =	sand.u32 $0x1, s1  }
0x8c: {  	s16 =	sshll.u32 s0, $0xA;
	s2 =	sadd.s32 s3, s2  }
0x8d: {  	s2 =	sadd.s32 s2, s16  }
0x8e: {  	[smem:$0x3FC0] =	sst s2  }
0x8f: {  	_ = 	snop  }
0x90: {  	(tm) =	ssettm $0x1  }
0x91: {  	s17 =	sld [smem:$0x3FFB];
	_ =	sdelay $0x3  }
0x92: {  	_ =	strace s17  }
0x93: {  	s2 =	sld [smem:$0x3FFC];
	_ =	sdelay $0x3  }
0x94: {  	_ =	strace s2  }
0x95: {  	s2 =	sld [smem:$0x3FFD];
	_ =	sdelay $0x3  }
0x96: {  	_ =	strace s2  }
0x97: {  	_ =	strace $0x8FFFFFFF  }
0x98: {  	s18 =	sld [smem:$0x3FDB];
	_ =	sdelay $0x1  }
0x99: {  	s19 =	simm.s32 $_scs_section_size  }
0x9a: {  	s4 =	simm.s32 $_size__tile_overlayer_lowered;
	s5 =	simm.s32 $_tile_overlayer_lowered  }
0x9b: {  	s22 =	simm.s32 $0x1BFF;
	s21 =	sshll.u32 s5, $0x1;
	s2 =	sadd.s32 s19, s18  }
0x9c: {  	s6 =	simm.s32 $0x0;
	s20 =	sshll.u32 s4, $0x1;
	s4 =	sadd.s32 s21, s2  }
0x9d: {  	[timem:s6], [sflag:s22] =	dma.local [hbm:s4], s20  }
0x9e: {  	_ =	swait.ge [sflag:s22], s20  }
0x9f: {  	s3 =	ssub.s32 $0x0, s20;
	[sflag:s22] =	ssyncset.done $0x0  }
0xa0: {  	[sflag:s22] =	ssyncadd.s32 s3;
	_ =	sdelay $0x1  }
0xa1: {  	s23 =	simm.s32 $0x1B8B  }
0xa2: {  	_ =	swait.ge [sflag:s23], $0x1  }
0xa3: {  	[sflag:s23] =	ssyncset.done $0x0  }
0xa4: {  	s25 =	simm.s32 $0x1B8E;
	s24 =	sld [smem:$0x3FFE];
	[sflag:s23] =	ssyncadd.s32 $0xFFFFFFFF  }
0xa5: {  	s26 =	simm.s32 $execute0_lowered;
	[smem:$0x3FD2] =	sst s25  }
0xa6: {  	s4 =	sshll.u32 s26, $0x1;
	_ =	strace $0x80000046;
	[dreg:$0x1] =	wrdreg $0xFFFFFFFF  }
0xa7: {  	s28 =	simm.s32 $_size_execute0_lowered;
	s2 =	sadd.s32 s2, s4;
	[dreg:$0x0] =	wrdreg $0x0  }
0xa8: {  	s4 =	sshll.u32 s28, $0x1;
	[dreg:$0x2] =	wrdreg s2  }
0xa9: {  	[dreg:$0x3] =	wrdreg s4  }
0xaa: {  	[dreg:$0x4] =	wrdreg $0xC0  }
0xab: {  	_ =	task [dreg:s6], $0x5FFFF  }
0xac: {  	[dreg:$0x1] =	wrdreg $0xFFFFFFFF  }
0xad: {  	[dreg:$0x0] =	wrdreg $0x60  }
0xae: {  	[dreg:$0x2] =	wrdreg s24  }
0xaf: {  	[dreg:$0x3] =	wrdreg $0xC1800  }
0xb0: {  	[dreg:$0x4] =	wrdreg $0x9  }
0xb1: {  	_ =	task.clear_ibuf [dreg:s6], $0x5FFFF;
	_ =	strace $0x90000046  }
0xb2: {  	s29 =	simm.s32 $0x9;
	_ =	strace $0x80000048  }
0xb3: {  	_ =	swait.ge [sflag:s29], $0x1  }
0xb4: {  	[sflag:s29] =	ssyncadd.s32 $0xFFFFFFFF  }
0xb5: {  	_ =	strace $0x90000048  }
0xb6: {  	_ =	sfence  }
0xb7: {  	s30 =	sld [smem:$0x0];
	_ =	sdelay $0x2  }
0xb8: {  	s31 =	sshll.u32 s1, $0xD;
	s1 =	sshrl.u32 s1, $0x2  }
0xb9: {  	s3 =	sand.u32 $0x4000, s31;
	s1 =	sadd.s32 s1, s30  }
0xba: {  	s0 =	sor.u32 s3, s0;
	s1 =	sshll.u32 s1, $0x11  }
0xbb: {  	s0 =	sor.u32 s1, s0  }
0xbc: {  	s0 =	sadd.s32 $0x8F2B, s0  }
0xbd: {  	[sflag:s0] =	ssyncadd.remote.s32 $0x1  }
0xbe: {  	_ =	sfence.sel $0xFFFF  }
0xbf: {  	[dreg:$0x0] =	wrdreg $0xFFFFFFFF;
	(pc) =	sbr.abs _section_cstart, $3  }
0xc0: {  	[dreg:$0x1] =	wrdreg $0xFFFFFFFF  }
0xc1: {  	_ =	task.clear_ibuf [dreg:s6], $0x2FFFF;
	_ =	strace $0x9FFFFFFF  }
0xc2: {  	(tm) =	ssettm $0x7FFFFFFF  }
0xc3: {  	_ =	shalt  }
tec
execute0_lowered:
.L_overlay_start_1:
0x0: {  	(tag) =	ssettag $0x1  }
0x1: {  	s0 =	rddreg [dreg:$0x0]  }
0x2: {  	s1 =	rddreg [dreg:$0x1]  }
0x3: {  	s2 =	simm.s32 $0x0;
	s3 =	srdreg.scid;
	s11 =	stileid.u32  }
0x4: {  	s29 =	simm.s32 $0xB980;
	s30 =	simm.s32 $0x1;
	s31 =	simm.s32 $0x1880  }
0x5: {  	[smem:$0x7FF] =	sst s2;
	s5 =	sadd.s32 $0x18A00, s0;
	s3 =	sand.u32 $0x1, s3  }
0x6: {  	s6 =	sadd.s32 $0x200, s0;
	s4 =	sshll.u32 s11, $0xF;
	s8 =	sadd.s32 $0xC600, s0  }
0x7: {  	s23 =	smul.u32 $0x1880, s11;
	_ =	strace $0x80000047;
	s7 =	sshll.u32 s3, $0x13  }
0x8: {  	s9 =	ssub.s32 $0x2, s3;
	s3 =	smul.u32 $0x31000, s3;
	s7 =	sor.u32 s4, s7  }
0x9: {  	s10 =	sshrl.u32 s9, $0x1;
	s4 =	sadd.s32 s4, s1;
	s7 =	sshrl.u32 s7, $0x3  }
0xa: {  	s20 =	sadd.s32 $0x800, s4;
	s21 =	sadd.s32 $0x1000, s4;
	s22 =	sadd.s32 $0x1800, s4  }
0xb: {  	s24 =	sadd.s32 $0x2000, s4;
	s25 =	sadd.s32 $0x2800, s4;
	s11 =	sadd.s32 $0x3800, s4  }
0xc: {  	s12 =	sadd.s32 $0x4000, s4;
	s13 =	sadd.s32 $0x4800, s4;
	s14 =	sadd.s32 $0x5000, s4  }
0xd: {  	s3 =	sadd.s32 s23, s3;
	s15 =	sadd.s32 $0x5800, s4;
	[dreg:$0x3] =	wrdreg s20  }
0xe: {  	s16 =	sadd.s32 $0x6000, s4;
	s23 =	sadd.s32 $0x6800, s4;
	[dreg:$0x4] =	wrdreg s21  }
0xf: {  	s28 =	sadd.s32 $0x7800, s4;
	s0 =	sadd.s32 s7, s0;
	[dreg:$0x5] =	wrdreg s22  }
0x10: {  	s7 =	ssub.s32 s9, s10;
	[dreg:$0x6] =	wrdreg s24;
	s3 =	sshrl.u32 s3, $0x3  }
0x11: {  	[dreg:$0x7] =	wrdreg s25;
	s10 =	sadd.s32 $0x3000, s4;
	s17 =	sadd.s32 s5, s3  }
0x12: {  	s18 =	sadd.s32 s6, s3;
	s26 =	sadd.s32 $0x3100, s3;
	s19 =	sadd.s32 s8, s3  }
0x13: {  	s24 =	sadd.s32 $0x24E00, s0;
	s25 =	smax.u32 s7, $0x1;
	s0 =	simm.s32 $0x3100  }
0x14: {  	s3 =	simm.s32 $0x80;
	s20 =	sadd.s32 s5, s26;
	s21 =	sadd.s32 s6, s26  }
0x15: {  	v0 =	vimm.f32 $0.0e+00;
	s22 =	sadd.s32 s8, s26;
	s26 =	sadd.s32 $0x7000, s4;
	s5 =	simm.s32 $0x0  }
.LBB2_1:
0x16: {  	s6 =	simm.s32 $0x40;
	s7 =	simm.s32 $0x0  }
.LBB2_2:
0x17: {  	p0 =	sne.s32 s6, $0x1FC0;
	[tilespmem:s7+$0xB980] =	vst v0;
	s7 =	smov.u32 s6;
	s6 =	sadd.s32 $0x40, s6  }
.Ltmp0:
0x18: {  	(pc) =	sbr.rel @p0 .LBB2_2-.Ltmp0, $2  }
0x19: {  	_ =	sdelay $0x2  }
0x1a: {  	s7 =	sshra.s32 s7, $0x2  }
0x1b: {  	[tilespmem:s7+$0xB980] =	vst v0  }
0x1c: {  	[spmem:s4] =	stream.linear.scatter [tilespmem:s29], [sflag:$0x1], $0x800, $0x38;
	[tilespmem:$0x14180] =	vst v63  }
0x1d: {  	_ =	swait.ge [sflag:s30], $0x800  }
0x1e: {  	[sflag:s30] =	ssyncset.done $0x0  }
0x1f: {  	s6 =	rddreg [dreg:$0x3];
	[sflag:s30] =	ssyncadd.s32 $0xFFFFF800  }
0x20: {  	[spmem:s6] =	stream.linear.scatter [tilespmem:s29], [sflag:$0x1], $0x800, $0x38;
	[tilespmem:$0x14180] =	vst v63  }
0x21: {  	_ =	swait.ge [sflag:s30], $0x800  }
0x22: {  	[sflag:s30] =	ssyncset.done $0x0  }
0x23: {  	s9 =	rddreg [dreg:$0x4];
	[sflag:s30] =	ssyncadd.s32 $0xFFFFF800  }
0x24: {  	[spmem:s9] =	stream.linear.scatter [tilespmem:s29], [sflag:$0x1], $0x800, $0x38;
	[tilespmem:$0x14180] =	vst v63  }
0x25: {  	_ =	swait.ge [sflag:s30], $0x800  }
0x26: {  	[sflag:s30] =	ssyncset.done $0x0  }
0x27: {  	s7 =	rddreg [dreg:$0x5];
	[sflag:s30] =	ssyncadd.s32 $0xFFFFF800  }
0x28: {  	[spmem:s7] =	stream.linear.scatter [tilespmem:s29], [sflag:$0x1], $0x800, $0x38;
	[tilespmem:$0x14180] =	vst v63  }
0x29: {  	_ =	swait.ge [sflag:s30], $0x800  }
0x2a: {  	[sflag:s30] =	ssyncset.done $0x0  }
0x2b: {  	s8 =	rddreg [dreg:$0x6];
	[sflag:s30] =	ssyncadd.s32 $0xFFFFF800  }
0x2c: {  	[spmem:s8] =	stream.linear.scatter [tilespmem:s29], [sflag:$0x1], $0x800, $0x38;
	[tilespmem:$0x14180] =	vst v63  }
0x2d: {  	_ =	swait.ge [sflag:s30], $0x800  }
0x2e: {  	[sflag:s30] =	ssyncset.done $0x0  }
0x2f: {  	s9 =	rddreg [dreg:$0x7];
	[sflag:s30] =	ssyncadd.s32 $0xFFFFF800  }
0x30: {  	[spmem:s9] =	stream.linear.scatter [tilespmem:s29], [sflag:$0x1], $0x800, $0x38;
	[tilespmem:$0x14180] =	vst v63  }
0x31: {  	_ =	swait.ge [sflag:s30], $0x800  }
0x32: {  	[sflag:s30] =	ssyncset.done $0x0  }
0x33: {  	[sflag:s30] =	ssyncadd.s32 $0xFFFFF800  }
0x34: {  	[spmem:s10] =	stream.linear.scatter [tilespmem:s29], [sflag:$0x1], $0x800, $0x38;
	[tilespmem:$0x14180] =	vst v63  }
0x35: {  	_ =	swait.ge [sflag:s30], $0x800  }
0x36: {  	[sflag:s30] =	ssyncset.done $0x0  }
0x37: {  	[sflag:s30] =	ssyncadd.s32 $0xFFFFF800  }
0x38: {  	[spmem:s11] =	stream.linear.scatter [tilespmem:s29], [sflag:$0x1], $0x800, $0x38;
	[tilespmem:$0x14180] =	vst v63  }
0x39: {  	_ =	swait.ge [sflag:s30], $0x800  }
0x3a: {  	[sflag:s30] =	ssyncset.done $0x0  }
0x3b: {  	[sflag:s30] =	ssyncadd.s32 $0xFFFFF800  }
0x3c: {  	[spmem:s12] =	stream.linear.scatter [tilespmem:s29], [sflag:$0x1], $0x800, $0x38;
	[tilespmem:$0x14180] =	vst v63  }
0x3d: {  	_ =	swait.ge [sflag:s30], $0x800  }
0x3e: {  	[sflag:s30] =	ssyncset.done $0x0  }
0x3f: {  	[sflag:s30] =	ssyncadd.s32 $0xFFFFF800  }
0x40: {  	[spmem:s13] =	stream.linear.scatter [tilespmem:s29], [sflag:$0x1], $0x800, $0x38;
	[tilespmem:$0x14180] =	vst v63  }
0x41: {  	_ =	swait.ge [sflag:s30], $0x800  }
0x42: {  	[sflag:s30] =	ssyncset.done $0x0  }
0x43: {  	[sflag:s30] =	ssyncadd.s32 $0xFFFFF800  }
0x44: {  	[spmem:s14] =	stream.linear.scatter [tilespmem:s29], [sflag:$0x1], $0x800, $0x38;
	[tilespmem:$0x14180] =	vst v63  }
0x45: {  	_ =	swait.ge [sflag:s30], $0x800  }
0x46: {  	[sflag:s30] =	ssyncset.done $0x0  }
0x47: {  	[sflag:s30] =	ssyncadd.s32 $0xFFFFF800  }
0x48: {  	[spmem:s15] =	stream.linear.scatter [tilespmem:s29], [sflag:$0x1], $0x800, $0x38;
	[tilespmem:$0x14180] =	vst v63  }
0x49: {  	_ =	swait.ge [sflag:s30], $0x800  }
0x4a: {  	[sflag:s30] =	ssyncset.done $0x0  }
0x4b: {  	[sflag:s30] =	ssyncadd.s32 $0xFFFFF800  }
0x4c: {  	[spmem:s16] =	stream.linear.scatter [tilespmem:s29], [sflag:$0x1], $0x800, $0x38;
	[tilespmem:$0x14180] =	vst v63  }
0x4d: {  	_ =	swait.ge [sflag:s30], $0x800  }
0x4e: {  	[sflag:s30] =	ssyncset.done $0x0  }
0x4f: {  	[sflag:s30] =	ssyncadd.s32 $0xFFFFF800  }
0x50: {  	[spmem:s23] =	stream.linear.scatter [tilespmem:s29], [sflag:$0x1], $0x800, $0x38;
	[tilespmem:$0x14180] =	vst v63  }
0x51: {  	_ =	swait.ge [sflag:s30], $0x800  }
0x52: {  	[sflag:s30] =	ssyncset.done $0x0  }
0x53: {  	[sflag:s30] =	ssyncadd.s32 $0xFFFFF800  }
0x54: {  	[spmem:s26] =	stream.linear.scatter [tilespmem:s29], [sflag:$0x1], $0x800, $0x38;
	[tilespmem:$0x14180] =	vst v63  }
0x55: {  	_ =	swait.ge [sflag:s30], $0x800  }
0x56: {  	[sflag:s30] =	ssyncset.done $0x0  }
0x57: {  	[sflag:s30] =	ssyncadd.s32 $0xFFFFF800  }
0x58: {  	[spmem:s28] =	stream.linear.scatter [tilespmem:s29], [sflag:$0x1], $0x800, $0x38;
	[tilespmem:$0x14180] =	vst v63  }
0x59: {  	_ =	swait.ge [sflag:s30], $0x800  }
0x5a: {  	[sflag:s30] =	ssyncset.done $0x0  }
0x5b: {  	[sflag:s30] =	ssyncadd.s32 $0xFFFFF800  }
0x5c: {  	[bflag:$0x0] =	sbarrier.arrive $0xFFFF  }
0x5d: {  	[tilespmem:s2], [sflag:$0x1] =	stream.linear.gather [hbm4b:s17+s2], $0x1880, $0x38;
	[tilespmem:$0x14180] =	vst v63  }
0x5e: {  	_ =	swait.ge [sflag:s30], $0x1880  }
0x5f: {  	[sflag:s30] =	ssyncset.done $0x0  }
0x60: {  	[sflag:s30] =	ssyncadd.s32 $0xFFFFE780  }
0x61: {  	[tilespmem:s31], [sflag:$0x1] =	stream.linear.gather [hbm4b:s18+s2], $0x1880, $0x38;
	[tilespmem:$0x14180] =	vst v63  }
0x62: {  	_ =	swait.ge [sflag:s30], $0x1880  }
0x63: {  	[sflag:s30] =	ssyncset.done $0x0  }
0x64: {  	[sflag:s30] =	ssyncadd.s32 $0xFFFFE780  }
0x65: {  	[tilespmem:s0], [sflag:$0x1] =	stream.linear.gather [hbm4b:s19+s2], $0x1880, $0x38;
	[tilespmem:$0x14180] =	vst v63  }
0x66: {  	_ =	swait.ge [sflag:s30], $0x1880  }
0x67: {  	[sflag:s30] =	ssyncset.done $0x0  }
0x68: {  	s6 =	simm.s32 $0x70;
	[sflag:s30] =	ssyncadd.s32 $0xFFFFE780  }
0x69: {  	v1 =	vld [tilespmem:s6+$0x0]  }
0x6a: {  	v2 =	vld [tilespmem:s6+$0xFFFFFF90];
	_ =	sdelay $0x1  }
0x6b: {  	v3 =	vld [tilespmem:s6+$0xFFFFFFA0]  }
0x6c: {  	v4 =	vld [tilespmem:s6+$0xFFFFFFB0]  }
0x6d: {  	v5 =	vld [tilespmem:s6+$0xFFFFFFC0];
	v1 =	vsub.f32 $0.0e+00, v1  }
0x6e: {  	v6 =	vld [tilespmem:s6+$0xFFFFFFD0];
	v2 =	vsub.f32 $0.0e+00, v2  }
0x6f: {  	v1 =	vmul.f32 $1.442695020e+00, v1  }
0x70: {  	v7 =	vld [tilespmem:s6+$0xFFFFFFE0];
	v3 =	vsub.f32 $0.0e+00, v3;
	v2 =	vmul.f32 $1.442695020e+00, v2  }
0x71: {  	v9 =	vld [tilespmem:s6+$0x1810];
	v4 =	vsub.f32 $0.0e+00, v4;
	(erf) = vpow2.f32 v1  }
0x72: {  	v8 =	vld [tilespmem:s6+$0xFFFFFFF0];
	v5 =	vsub.f32 $0.0e+00, v5;
	v3 =	vmul.f32 $1.442695020e+00, v3;
	(erf) = vpow2.f32 v2  }
0x73: {  	v10 =	vld [tilespmem:s6+$0x1820];
	v6 =	vsub.f32 $0.0e+00, v6;
	v4 =	vmul.f32 $1.442695020e+00, v4  }
0x74: {  	v11 =	vld [tilespmem:s6+$0x3090];
	v5 =	vmul.f32 $1.442695020e+00, v5;
	(erf) = vpow2.f32 v3  }
0x75: {  	v14 =	vld [tilespmem:s6+$0x30C0];
	v6 =	vmul.f32 $1.442695020e+00, v6;
	(erf) = vpow2.f32 v4  }
0x76: {  	v15 =	vld [tilespmem:s6+$0x30D0];
	vm0 =	vgt.s32 v9, $0x0;
	(erf) = vpow2.f32 v5  }
0x77: {  	v17 =	vld [tilespmem:s6+$0x30E0];
	v7 =	vsub.f32 $0.0e+00, v7;
	(erf) = vpow2.f32 v6;
	v6 =	vnsel vm0, $0x0, v9  }
0x78: {  	v19 =	vld [tilespmem:s6+$0x3100];
	v8 =	vsub.f32 $0.0e+00, v8  }
0x79: {  	v7 =	vmul.f32 $1.442695020e+00, v7;
	v1 =	vld [tilespmem:s6+$0x1830]  }
0x7a: {  	v8 =	vmul.f32 $1.442695020e+00, v8;
	v12 =	vmin.u32 v6, $0x1FF;
	v6 =	vpop (erf)  }
0x7b: {  	vm1 =	vgt.s32 v10, $0x0;
	v2 =	vld [tilespmem:s6+$0x1840];
	(erf) = vpow2.f32 v7;
	v13 =	vpop (erf)  }
0x7c: {  	vm14 =	vgt.s32 v11, $0x0;
	v3 =	vld [tilespmem:s6+$0x1850];
	(erf) = vpow2.f32 v8;
	v13 =	vadd.f32 $1.000000000e+00, v13  }
0x7d: {  	vm3 =	vgt.s32 v14, $0x0;
	vm4 =	vgt.s32 v15, $0x0;
	v6 =	vadd.f32 $1.000000000e+00, v6  }
0x7e: {  	vm5 =	vgt.s32 v17, $0x0;
	vm7 =	vgt.s32 v19, $0x0;
	v4 =	vld [tilespmem:s6+$0x1860];
	vm8 =	vgt.s32 v1, $0x0;
	v16 =	vpop (erf)  }
0x7f: {  	v7 =	vnsel vm1, $0x0, v10;
	v16 =	vadd.f32 $1.000000000e+00, v16;
	v18 =	vpop (erf);
	(erf) = vrcp.f32 v6  }
0x80: {  	v5 =	vld [tilespmem:s6+$0x1870];
	vm9 =	vgt.s32 v2, $0x0;
	v6 =	vadd.f32 $1.000000000e+00, v18;
	(erf) = vrcp.f32 v13;
	v13 =	vpop (erf)  }
0x81: {  	v9 =	vld [tilespmem:s6+$0x1880];
	v1 =	vnsel vm8, $0x0, v1;
	vm10 =	vgt.s32 v3, $0x0;
	v13 =	vadd.f32 $1.000000000e+00, v13  }
0x82: {  	v2 =	vnsel vm9, $0x0, v2;
	v20 =	vmin.u32 v1, $0x1FF;
	v3 =	vnsel vm10, $0x0, v3  }
0x83: {  	v10 =	vld [tilespmem:s6+$0x30B0];
	vm11 =	vgt.s32 v4, $0x0;
	v21 =	vmin.u32 v2, $0x1FF;
	(erf) = vrcp.f32 v16;
	v16 =	vpop (erf)  }
0x84: {  	v8 =	vld [tilespmem:s6+$0x30A0];
	v4 =	vnsel vm11, $0x0, v4;
	(erf) = vrcp.f32 v6;
	v16 =	vadd.f32 $1.000000000e+00, v16;
	v6 =	vpop (erf)  }
0x85: {  	vm12 =	vgt.s32 v5, $0x0;
	v18 =	vld [tilespmem:s6+$0x30F0];
	v6 =	vadd.f32 $1.000000000e+00, v6;
	(erf) = vrcp.f32 v13;
	v13 =	vpop (erf)  }
0x86: {  	vm13 =	vgt.s32 v9, $0x0;
	(erf) = vrcp.f32 v16;
	v13 =	vadd.f32 $1.000000000e+00, v13  }
0x87: {  	v5 =	vnsel vm12, $0x0, v5;
	v9 =	vnsel vm13, $0x0, v9;
	(erf) = vrcp.f32 v6  }
0x88: {  	vm2 =	vgt.s32 v10, $0x0;
	v5 =	vmin.u32 v5, $0x1FF;
	(erf) = vrcp.f32 v13  }
0x89: {  	vm15 =	vgt.s32 v8, $0x0;
	v2 =	vmin.u32 v9, $0x1FF;
	v9 =	vnsel vm3, $0x0, v14  }
0x8a: {  	v14 =	vshll.u32 v12, $0x9;
	vm6 =	vgt.s32 v18, $0x0;
	v16 =	vmin.u32 v7, $0x1FF;
	v1 =	vpop (erf)  }
0x8b: {  	v7 =	vmin.u32 v4, $0x1FF;
	v4 =	vnsel vm5, $0x0, v17;
	v6 =	vmin.u32 v3, $0x1FF;
	[tilespmem:s6+$0x4980] =	vst v1;
	v1 =	vpop (erf)  }
0x8c: {  	v3 =	vnsel vm2, $0x0, v10;
	v10 =	vnsel vm4, $0x0, v15;
	v16 =	vshll.u32 v16, $0x9;
	[tilespmem:s6+$0x4910] =	vst v1;
	v1 =	vpop (erf)  }
0x8d: {  	v15 =	vshll.u32 v20, $0x9;
	v13 =	vnsel vm14, $0x0, v11;
	v11 =	vnsel vm15, $0x0, v8;
	[tilespmem:s6+$0x4920] =	vst v1;
	v12 =	vpop (erf)  }
0x8e: {  	s7 =	simm.s32 $0xF0;
	s8 =	simm.s32 $0x5C0;
	v8 =	vnsel vm6, $0x0, v18;
	v1 =	vnsel vm7, $0x0, v19;
	[tilespmem:s6+$0x4930] =	vst v12;
	v12 =	vshll.u32 v21, $0x9;
	v17 =	vpop (erf)  }
.LBB2_4:
0x8f: {  	p0 =	sne.s32 s8, $0x61C0;
	v18 =	vld [tilespmem:s7+$0x0];
	[tilespmem:s6+$0x4940] =	vst v17;
	v6 =	vshll.u32 v6, $0x9;
	v7 =	vshll.u32 v7, $0x9;
	v5 =	vshll.u32 v5, $0x9;
	v17 =	vpop (erf)  }
0x90: {  	v13 =	vmin.u32 v13, $0x1FF;
	v11 =	vmin.u32 v11, $0x1FF;
	v2 =	vshll.u32 v2, $0x9;
	v19 =	vld [tilespmem:s7+$0xFFFFFF90];
	[tilespmem:s6+$0x4950] =	vst v17;
	v17 =	vpop (erf)  }
0x91: {  	v3 =	vmin.u32 v3, $0x1FF;
	v9 =	vmin.u32 v9, $0x1FF;
	v10 =	vmin.u32 v10, $0x1FF;
	v20 =	vld [tilespmem:s7+$0xFFFFFFA0];
	[tilespmem:s6+$0x4960] =	vst v17;
	v17 =	vpop (erf)  }
0x92: {  	v4 =	vmin.u32 v4, $0x1FF;
	v8 =	vmin.u32 v8, $0x1FF;
	v1 =	vmin.u32 v1, $0x1FF;
	v21 =	vld [tilespmem:s7+$0xFFFFFFB0];
	[tilespmem:s6+$0x4970] =	vst v17  }
0x93: {  	v13 =	vor.u32 v13, v14;
	v11 =	vor.u32 v11, v16;
	v3 =	vor.u32 v3, v15;
	v17 =	vld [tilespmem:s7+$0xFFFFFFC0]  }
0x94: {  	v9 =	vor.u32 v9, v12;
	v6 =	vor.u32 v10, v6;
	v14 =	vld [tilespmem:s7+$0xFFFFFFD0];
	v15 =	vsub.f32 $0.0e+00, v18;
	[tilespmem:s6+$0x8110] =	vst v13  }
0x95: {  	v4 =	vor.u32 v4, v7;
	v5 =	vor.u32 v8, v5;
	v10 =	vsub.f32 $0.0e+00, v19;
	v12 =	vld [tilespmem:s7+$0xFFFFFFE0];
	[tilespmem:s6+$0x8120] =	vst v11  }
0x96: {  	v1 =	vor.u32 v1, v2;
	v7 =	vsub.f32 $0.0e+00, v20;
	v8 =	vld [tilespmem:s7+$0xFFFFFFF0];
	v11 =	vmul.f32 $1.442695020e+00, v15;
	[tilespmem:s6+$0x8130] =	vst v3  }
0x97: {  	v2 =	vld [tilespmem:s7+$0x1810];
	v3 =	vmul.f32 $1.442695020e+00, v10;
	v10 =	vsub.f32 $0.0e+00, v21;
	[tilespmem:s6+$0x8140] =	vst v9  }
0x98: {  	v9 =	vld [tilespmem:s7+$0x1820];
	v7 =	vmul.f32 $1.442695020e+00, v7;
	v13 =	vsub.f32 $0.0e+00, v17;
	(erf) = vpow2.f32 v11;
	[tilespmem:s6+$0x8150] =	vst v6  }
0x99: {  	v6 =	vld [tilespmem:s7+$0x1830];
	v10 =	vmul.f32 $1.442695020e+00, v10;
	v11 =	vsub.f32 $0.0e+00, v14;
	(erf) = vpow2.f32 v3;
	[tilespmem:s6+$0x8160] =	vst v4  }
0x9a: {  	v3 =	vld [tilespmem:s7+$0x1840];
	v4 =	vmul.f32 $1.442695020e+00, v13;
	v12 =	vsub.f32 $0.0e+00, v12;
	(erf) = vpow2.f32 v7;
	[tilespmem:s6+$0x8170] =	vst v5  }
0x9b: {  	v5 =	vld [tilespmem:s7+$0x1850];
	v7 =	vmul.f32 $1.442695020e+00, v11;
	v8 =	vsub.f32 $0.0e+00, v8;
	(erf) = vpow2.f32 v10;
	[tilespmem:s6+$0x8180] =	vst v1;
	s6 =	smov.u32 s7  }
0x9c: {  	vm0 =	vgt.s32 v2, $0x0;
	v1 =	vld [tilespmem:s6+$0x1860];
	v10 =	vmul.f32 $1.442695020e+00, v12;
	(erf) = vpow2.f32 v4  }
0x9d: {  	vm1 =	vgt.s32 v9, $0x0;
	v4 =	vld [tilespmem:s6+$0x1870];
	v8 =	vmul.f32 $1.442695020e+00, v8;
	(erf) = vpow2.f32 v7  }
0x9e: {  	v2 =	vnsel vm0, $0x0, v2;
	vm0 =	vgt.s32 v6, $0x0;
	v7 =	vld [tilespmem:s6+$0x1880];
	(erf) = vpow2.f32 v10  }
0x9f: {  	v9 =	vnsel vm1, $0x0, v9;
	v10 =	vld [tilespmem:s6+$0x3090];
	vm1 =	vgt.s32 v3, $0x0;
	(erf) = vpow2.f32 v8  }
0xa0: {  	v6 =	vnsel vm0, $0x0, v6;
	v8 =	vld [tilespmem:s6+$0x30A0];
	v3 =	vnsel vm1, $0x0, v3;
	vm0 =	vgt.s32 v5, $0x0  }
0xa1: {  	v12 =	vmin.u32 v2, $0x1FF;
	v14 =	vld [tilespmem:s6+$0x30B0];
	v2 =	vnsel vm0, $0x0, v5;
	vm0 =	vgt.s32 v1, $0x0;
	v5 =	vpop (erf)  }
0xa2: {  	v15 =	vld [tilespmem:s6+$0x30C0];
	v1 =	vnsel vm0, $0x0, v1;
	vm0 =	vgt.s32 v4, $0x0;
	v5 =	vadd.f32 $1.000000000e+00, v5;
	v11 =	vpop (erf)  }
0xa3: {  	v21 =	vadd.f32 $1.000000000e+00, v11;
	v16 =	vld [tilespmem:s6+$0x30D0];
	v4 =	vnsel vm0, $0x0, v4;
	vm0 =	vgt.s32 v7, $0x0;
	v13 =	vpop (erf)  }
0xa4: {  	v13 =	vadd.f32 $1.000000000e+00, v13;
	v17 =	vld [tilespmem:s6+$0x30E0];
	v18 =	vnsel vm0, $0x0, v7;
	v7 =	vpop (erf);
	(erf) = vrcp.f32 v5  }
0xa5: {  	vm0 =	vgt.s32 v10, $0x0;
	v22 =	vadd.f32 $1.000000000e+00, v7;
	v19 =	vld [tilespmem:s6+$0x30F0];
	(erf) = vrcp.f32 v21;
	v7 =	vpop (erf)  }
0xa6: {  	vm1 =	vgt.s32 v8, $0x0;
	v21 =	vadd.f32 $1.000000000e+00, v7;
	v20 =	vld [tilespmem:s6+$0x3100];
	(erf) = vrcp.f32 v13;
	v11 =	vpop (erf)  }
0xa7: {  	vm2 =	vgt.s32 v14, $0x0;
	v11 =	vadd.f32 $1.000000000e+00, v11;
	(erf) = vrcp.f32 v22;
	v5 =	vpop (erf)  }
0xa8: {  	vm3 =	vgt.s32 v15, $0x0;
	v5 =	vadd.f32 $1.000000000e+00, v5;
	(erf) = vrcp.f32 v21;
	v7 =	vpop (erf)  }
0xa9: {  	vm4 =	vgt.s32 v16, $0x0;
	v7 =	vadd.f32 $1.000000000e+00, v7;
	(erf) = vrcp.f32 v11  }
0xaa: {  	vm5 =	vgt.s32 v17, $0x0;
	vm6 =	vgt.s32 v19, $0x0;
	(erf) = vrcp.f32 v5  }
0xab: {  	v21 =	vmin.u32 v9, $0x1FF;
	vm7 =	vgt.s32 v20, $0x0;
	(erf) = vrcp.f32 v7  }
0xac: {  	v23 =	vmin.u32 v3, $0x1FF;
	v22 =	vmin.u32 v6, $0x1FF;
	v6 =	vmin.u32 v2, $0x1FF  }
.Ltmp1:
0xad: {  	v2 =	vmin.u32 v18, $0x1FF;
	v5 =	vmin.u32 v4, $0x1FF;
	v7 =	vmin.u32 v1, $0x1FF;
	v1 =	vpop (erf);
	(pc) =	sbr.rel @p0 .LBB2_4-.Ltmp1, $4  }
0xae: {  	v13 =	vnsel vm0, $0x0, v10;
	v3 =	vnsel vm2, $0x0, v14;
	v11 =	vnsel vm1, $0x0, v8;
	[tilespmem:s6+$0x4980] =	vst v1;
	v1 =	vpop (erf)  }
0xaf: {  	v9 =	vnsel vm3, $0x0, v15;
	v10 =	vnsel vm4, $0x0, v16;
	v4 =	vnsel vm5, $0x0, v17;
	[tilespmem:s6+$0x4910] =	vst v1;
	v1 =	vpop (erf)  }
0xb0: {  	v14 =	vshll.u32 v12, $0x9;
	v8 =	vnsel vm6, $0x0, v19;
	[tilespmem:s6+$0x4920] =	vst v1;
	v1 =	vnsel vm7, $0x0, v20;
	v12 =	vpop (erf)  }
0xb1: {  	s7 =	sshra.s32 s8, $0x2;
	s8 =	sadd.s32 $0x200, s8;
	v15 =	vshll.u32 v22, $0x9;
	v16 =	vshll.u32 v21, $0x9;
	[tilespmem:s6+$0x4930] =	vst v12;
	v12 =	vshll.u32 v23, $0x9;
	v17 =	vpop (erf)  }
0xb2: {  	v18 =	vld [tilespmem:s7+$0x0];
	[tilespmem:s6+$0x4940] =	vst v17;
	v52 =	vpop (erf)  }
0xb3: {  	v19 =	vld [tilespmem:s7+$0xFFFFFF90];
	[tilespmem:s6+$0x4950] =	vst v52;
	v53 =	vpop (erf)  }
0xb4: {  	v13 =	vmin.u32 v13, $0x1FF;
	v20 =	vld [tilespmem:s7+$0xFFFFFFA0];
	[tilespmem:s6+$0x4960] =	vst v53  }
0xb5: {  	v6 =	vshll.u32 v6, $0x9;
	v7 =	vshll.u32 v7, $0x9;
	v11 =	vmin.u32 v11, $0x1FF;
	v54 =	vpop (erf);
	v21 =	vld [tilespmem:s7+$0xFFFFFFB0]  }
0xb6: {  	v5 =	vshll.u32 v5, $0x9;
	v2 =	vshll.u32 v2, $0x9;
	v3 =	vmin.u32 v3, $0x1FF;
	[tilespmem:s6+$0x4970] =	vst v54  }
0xb7: {  	v9 =	vmin.u32 v9, $0x1FF;
	v13 =	vor.u32 v13, v14;
	v17 =	vld [tilespmem:s7+$0xFFFFFFC0];
	v56 =	vsub.f32 $0.0e+00, v18  }
0xb8: {  	v10 =	vmin.u32 v10, $0x1FF;
	v11 =	vor.u32 v11, v16;
	v55 =	vld [tilespmem:s7+$0xFFFFFFD0];
	[tilespmem:s6+$0x8110] =	vst v13;
	v58 =	vsub.f32 $0.0e+00, v19  }
0xb9: {  	v3 =	vor.u32 v3, v15;
	v13 =	vld [tilespmem:s7+$0xFFFFFFE0];
	[tilespmem:s6+$0x8120] =	vst v11;
	v59 =	vsub.f32 $0.0e+00, v20;
	v60 =	vmul.f32 $1.442695020e+00, v56  }
0xba: {  	v9 =	vor.u32 v9, v12;
	v57 =	vld [tilespmem:s7+$0xFFFFFFF0];
	[tilespmem:s6+$0x8130] =	vst v3;
	v62 =	vmul.f32 $1.442695020e+00, v58;
	v63 =	vsub.f32 $0.0e+00, v21  }
0xbb: {  	v3 =	vor.u32 v10, v6;
	v61 =	vld [tilespmem:s7+$0x1810];
	[tilespmem:s6+$0x8140] =	vst v9;
	v6 =	vmul.f32 $1.442695020e+00, v59;
	(erf) = vpow2.f32 v60  }
0xbc: {  	v4 =	vmin.u32 v4, $0x1FF;
	v9 =	vld [tilespmem:s7+$0x1820];
	[tilespmem:s6+$0x8150] =	vst v3;
	v3 =	vmul.f32 $1.442695020e+00, v63;
	(erf) = vpow2.f32 v62  }
0xbd: {  	v8 =	vmin.u32 v8, $0x1FF;
	v4 =	vor.u32 v4, v7;
	(erf) = vpow2.f32 v6  }
0xbe: {  	v1 =	vmin.u32 v1, $0x1FF;
	v22 =	vld [tilespmem:s7+$0x1830];
	[tilespmem:s6+$0x8160] =	vst v4;
	(erf) = vpow2.f32 v3;
	v3 =	vor.u32 v8, v5  }
0xbf: {  	v1 =	vor.u32 v1, v2;
	v26 =	vld [tilespmem:s7+$0x1840];
	[tilespmem:s6+$0x8170] =	vst v3  }
0xc0: {  	v2 =	vld [tilespmem:s7+$0x1850];
	[tilespmem:s6+$0x8180] =	vst v1  }
0xc1: {  	v20 =	vsub.f32 $0.0e+00, v17;
	v1 =	vld [tilespmem:s7+$0x1860]  }
0xc2: {  	v21 =	vsub.f32 $0.0e+00, v55;
	v13 =	vsub.f32 $0.0e+00, v13;
	v30 =	vld [tilespmem:s7+$0x1880]  }
0xc3: {  	v23 =	vmul.f32 $1.442695020e+00, v20;
	v25 =	vsub.f32 $0.0e+00, v57;
	v32 =	vld [tilespmem:s7+$0x3090]  }
0xc4: {  	v24 =	vmul.f32 $1.442695020e+00, v21;
	v27 =	vmul.f32 $1.442695020e+00, v13;
	v34 =	vld [tilespmem:s7+$0x30A0]  }
0xc5: {  	vm0 =	vgt.s32 v61, $0x0;
	(erf) = vpow2.f32 v23;
	v3 =	vmul.f32 $1.442695020e+00, v25;
	v37 =	vld [tilespmem:s7+$0x30B0]  }
0xc6: {  	vm1 =	vgt.s32 v9, $0x0;
	v29 =	vnsel vm0, $0x0, v61;
	(erf) = vpow2.f32 v24;
	v39 =	vld [tilespmem:s7+$0x30C0]  }
0xc7: {  	vm8 =	vgt.s32 v22, $0x0;
	v9 =	vnsel vm1, $0x0, v9;
	v6 =	vmin.u32 v29, $0x1FF;
	v41 =	vld [tilespmem:s7+$0x30D0]  }
0xc8: {  	(erf) = vpow2.f32 v27;
	vm9 =	vgt.s32 v26, $0x0;
	v36 =	vnsel vm8, $0x0, v22;
	v43 =	vld [tilespmem:s7+$0x30E0]  }
0xc9: {  	v45 =	vld [tilespmem:s7+$0x30F0];
	v9 =	vmin.u32 v9, $0x1FF;
	v6 =	vshll.u32 v6, $0x9;
	v5 =	vnsel vm9, $0x0, v26  }
0xca: {  	v46 =	vld [tilespmem:s7+$0x3100];
	(erf) = vpow2.f32 v3;
	v9 =	vshll.u32 v9, $0x9;
	v5 =	vmin.u32 v5, $0x1FF;
	v28 =	vpop (erf)  }
0xcb: {  	v5 =	vshll.u32 v5, $0x9;
	v4 =	vadd.f32 $1.000000000e+00, v28;
	v31 =	vpop (erf);
	vm10 =	vgt.s32 v2, $0x0  }
0xcc: {  	v3 =	vld [tilespmem:s7+$0x1870];
	v10 =	vadd.f32 $1.000000000e+00, v31;
	vm11 =	vgt.s32 v1, $0x0;
	v2 =	vnsel vm10, $0x0, v2  }
0xcd: {  	vm13 =	vgt.s32 v30, $0x0;
	vm14 =	vgt.s32 v32, $0x0;
	vm15 =	vgt.s32 v34, $0x0  }
0xce: {  	vm2 =	vgt.s32 v37, $0x0;
	vm3 =	vgt.s32 v39, $0x0;
	vm4 =	vgt.s32 v41, $0x0  }
0xcf: {  	v33 =	vpop (erf);
	vm5 =	vgt.s32 v43, $0x0;
	vm6 =	vgt.s32 v45, $0x0;
	vm7 =	vgt.s32 v46, $0x0  }
0xd0: {  	v12 =	vadd.f32 $1.000000000e+00, v33;
	(erf) = vrcp.f32 v4;
	v1 =	vnsel vm11, $0x0, v1  }
0xd1: {  	vm12 =	vgt.s32 v3, $0x0;
	v8 =	vnsel vm13, $0x0, v30;
	v4 =	vmin.u32 v36, $0x1FF  }
0xd2: {  	v2 =	vmin.u32 v2, $0x1FF;
	v11 =	vnsel vm14, $0x0, v32;
	v13 =	vnsel vm15, $0x0, v34  }
0xd3: {  	v35 =	vpop (erf);
	v7 =	vnsel vm2, $0x0, v37;
	v52 =	vnsel vm3, $0x0, v39;
	v54 =	vnsel vm4, $0x0, v41  }
0xd4: {  	v55 =	vnsel vm5, $0x0, v43;
	v57 =	vnsel vm6, $0x0, v45;
	v14 =	vadd.f32 $1.000000000e+00, v35  }
0xd5: {  	(erf) = vrcp.f32 v10;
	v3 =	vnsel vm12, $0x0, v3;
	v1 =	vmin.u32 v1, $0x1FF  }
0xd6: {  	v8 =	vmin.u32 v8, $0x1FF;
	v11 =	vmin.u32 v11, $0x1FF;
	v13 =	vmin.u32 v13, $0x1FF  }
0xd7: {  	v4 =	vshll.u32 v4, $0x9;
	v7 =	vmin.u32 v7, $0x1FF;
	v59 =	vmin.u32 v52, $0x1FF  }
0xd8: {  	v38 =	vpop (erf);
	v2 =	vshll.u32 v2, $0x9;
	v60 =	vmin.u32 v54, $0x1FF;
	v61 =	vmin.u32 v55, $0x1FF  }
0xd9: {  	v62 =	vmin.u32 v57, $0x1FF;
	v10 =	vadd.f32 $1.000000000e+00, v38;
	(erf) = vrcp.f32 v12  }
0xda: {  	v3 =	vmin.u32 v3, $0x1FF;
	v6 =	vor.u32 v11, v6;
	v9 =	vor.u32 v13, v9  }
0xdb: {  	v40 =	vpop (erf);
	v4 =	vor.u32 v7, v4;
	v5 =	vor.u32 v59, v5;
	v1 =	vshll.u32 v1, $0x9;
	[tilespmem:s7+$0x8110] =	vst v6  }
0xdc: {  	v2 =	vor.u32 v60, v2;
	v12 =	vadd.f32 $1.000000000e+00, v40;
	(erf) = vrcp.f32 v14;
	v42 =	vpop (erf);
	[tilespmem:s7+$0x8120] =	vst v9  }
0xdd: {  	[tilespmem:s7+$0x8130] =	vst v4;
	v3 =	vshll.u32 v3, $0x9;
	v14 =	vadd.f32 $1.000000000e+00, v42;
	(erf) = vrcp.f32 v10;
	v44 =	vpop (erf)  }
0xde: {  	[tilespmem:s7+$0x8140] =	vst v5;
	v1 =	vor.u32 v61, v1;
	v10 =	vadd.f32 $1.000000000e+00, v44;
	(erf) = vrcp.f32 v12  }
0xdf: {  	[tilespmem:s7+$0x8150] =	vst v2;
	v2 =	vshll.u32 v8, $0x9;
	v12 =	vnsel vm7, $0x0, v46;
	(erf) = vrcp.f32 v14  }
0xe0: {  	v3 =	vor.u32 v62, v3;
	[tilespmem:s7+$0x8160] =	vst v1;
	v63 =	vmin.u32 v12, $0x1FF;
	(erf) = vrcp.f32 v10  }
0xe1: {  	[tilespmem:s7+$0x8170] =	vst v3;
	v1 =	vor.u32 v63, v2  }
0xe2: {  	[tilespmem:s7+$0x8180] =	vst v1;
	v47 =	vpop (erf)  }
0xe3: {  	[tilespmem:s7+$0x4980] =	vst v47;
	v48 =	vpop (erf)  }
0xe4: {  	[tilespmem:s7+$0x4910] =	vst v48;
	v49 =	vpop (erf)  }
0xe5: {  	[tilespmem:s7+$0x4920] =	vst v49;
	v50 =	vpop (erf)  }
0xe6: {  	[tilespmem:s7+$0x4930] =	vst v50;
	v51 =	vpop (erf)  }
0xe7: {  	[tilespmem:s7+$0x4940] =	vst v51;
	v53 =	vpop (erf)  }
0xe8: {  	[tilespmem:s7+$0x4950] =	vst v53;
	v56 =	vpop (erf)  }
0xe9: {  	[tilespmem:s7+$0x4960] =	vst v56;
	v58 =	vpop (erf)  }
0xea: {  	s8 =	simm.s32 $0x4980;
	s9 =	simm.s32 $0x8180;
	[tilespmem:s7+$0x4970] =	vst v58  }
0xeb: {  	[spmem:s1] =	stream.indirect.scatter.add.f32 [tilespmem:s8], [sflag:$0x1], $0x1, s9, s3, $0xb8;
	[tilespmem:$0x14180] =	vst v63  }
0xec: {  	s6 =	simm.s32 $0x200;
	_ =	swait.ge [sflag:s30], $0x80  }
.LBB2_6:
0xed: {  	s7 =	sshra.s32 s6, $0x2  }
0xee: {  	[sflag:s30] =	ssyncset.done $0x0;
	p0 =	sne.s32 s6, $0x6000;
	s8 =	sadd.s32 $0x4980, s7  }
.Ltmp2:
0xef: {  	s7 =	sadd.s32 $0x8180, s7;
	[sflag:s30] =	ssyncadd.s32 $0xFFFFFF80;
	(pc) =	sbr.rel @p0 .LBB2_6-.Ltmp2, $3  }
0xf0: {  	[spmem:s1] =	stream.indirect.scatter.add.f32 [tilespmem:s8], [sflag:$0x1], $0x1, s7, s3, $0xb8;
	[tilespmem:$0x14180] =	vst v63  }
0xf1: {  	s6 =	sadd.s32 $0x200, s6;
	_ =	sdelay $0x1  }
0xf2: {  	_ =	swait.ge [sflag:s30], $0x80  }
0xf3: {  	[sflag:s30] =	ssyncset.done $0x0  }
0xf4: {  	s6 =	simm.s32 $0x0;
	[sflag:s30] =	ssyncadd.s32 $0xFFFFFF80  }
0xf5: {  	[tilespmem:s6], [sflag:$0x1] =	stream.linear.gather [hbm4b:s20+s6], $0x1880, $0x38;
	[tilespmem:$0x14180] =	vst v63  }
0xf6: {  	_ =	swait.ge [sflag:s30], $0x1880  }
0xf7: {  	[sflag:s30] =	ssyncset.done $0x0  }
0xf8: {  	[sflag:s30] =	ssyncadd.s32 $0xFFFFE780  }
0xf9: {  	[tilespmem:s31], [sflag:$0x1] =	stream.linear.gather [hbm4b:s21+s6], $0x1880, $0x38;
	[tilespmem:$0x14180] =	vst v63  }
0xfa: {  	_ =	swait.ge [sflag:s30], $0x1880  }
0xfb: {  	[sflag:s30] =	ssyncset.done $0x0  }
0xfc: {  	[sflag:s30] =	ssyncadd.s32 $0xFFFFE780  }
0xfd: {  	[tilespmem:s0], [sflag:$0x1] =	stream.linear.gather [hbm4b:s22+s6], $0x1880, $0x38;
	[tilespmem:$0x14180] =	vst v63  }
0xfe: {  	_ =	swait.ge [sflag:s30], $0x1880  }
0xff: {  	[sflag:s30] =	ssyncset.done $0x0  }
0x100: {  	s7 =	simm.s32 $0x0;
	[sflag:s30] =	ssyncadd.s32 $0xFFFFE780  }
0x101: {  	v1 =	vld [tilespmem:s7+$0x70]  }
0x102: {  	v2 =	vld [tilespmem:s7+$0x0];
	_ =	sdelay $0x2  }
0x103: {  	v3 =	vld [tilespmem:s7+$0x10]  }
0x104: {  	v4 =	vld [tilespmem:s7+$0x20];
	v1 =	vsub.f32 $0.0e+00, v1  }
0x105: {  	v5 =	vld [tilespmem:s7+$0x30];
	v2 =	vsub.f32 $0.0e+00, v2  }
0x106: {  	v6 =	vld [tilespmem:s7+$0x40];
	v1 =	vmul.f32 $1.442695020e+00, v1  }
0x107: {  	v7 =	vld [tilespmem:s7+$0x50];
	v2 =	vmul.f32 $1.442695020e+00, v2  }
0x108: {  	v8 =	vld [tilespmem:s7+$0x60];
	v3 =	vsub.f32 $0.0e+00, v3;
	(erf) = vpow2.f32 v1  }
0x109: {  	v9 =	vld [tilespmem:s7+$0x1880];
	v4 =	vsub.f32 $0.0e+00, v4;
	(erf) = vpow2.f32 v2  }
0x10a: {  	v10 =	vld [tilespmem:s7+$0x1890];
	v5 =	vsub.f32 $0.0e+00, v5;
	v3 =	vmul.f32 $1.442695020e+00, v3  }
0x10b: {  	v11 =	vld [tilespmem:s7+$0x3120];
	v4 =	vmul.f32 $1.442695020e+00, v4  }
0x10c: {  	v13 =	vld [tilespmem:s7+$0x3130];
	v5 =	vmul.f32 $1.442695020e+00, v5;
	(erf) = vpow2.f32 v3  }
0x10d: {  	v15 =	vld [tilespmem:s7+$0x3140];
	v6 =	vsub.f32 $0.0e+00, v6;
	(erf) = vpow2.f32 v4  }
0x10e: {  	v17 =	vld [tilespmem:s7+$0x3150];
	v7 =	vsub.f32 $0.0e+00, v7;
	(erf) = vpow2.f32 v5  }
0x10f: {  	v19 =	vld [tilespmem:s7+$0x3170];
	v8 =	vsub.f32 $0.0e+00, v8;
	v6 =	vmul.f32 $1.442695020e+00, v6  }
0x110: {  	vm0 =	vgt.s32 v9, $0x0;
	v7 =	vmul.f32 $1.442695020e+00, v7  }
0x111: {  	vm1 =	vgt.s32 v10, $0x0;
	v8 =	vmul.f32 $1.442695020e+00, v8;
	(erf) = vpow2.f32 v6;
	v12 =	vpop (erf)  }
0x112: {  	vm2 =	vgt.s32 v11, $0x0;
	vm3 =	vgt.s32 v13, $0x0;
	(erf) = vpow2.f32 v7;
	v14 =	vpop (erf)  }
0x113: {  	vm4 =	vgt.s32 v15, $0x0;
	v1 =	vld [tilespmem:s7+$0x18A0];
	(erf) = vpow2.f32 v8;
	v14 =	vadd.f32 $1.000000000e+00, v14  }
0x114: {  	vm5 =	vgt.s32 v17, $0x0;
	vm7 =	vgt.s32 v19, $0x0;
	v2 =	vld [tilespmem:s7+$0x18B0];
	v12 =	vadd.f32 $1.000000000e+00, v12  }
0x115: {  	v10 =	vnsel vm1, $0x0, v10;
	v23 =	vnsel vm2, $0x0, v11;
	v24 =	vnsel vm3, $0x0, v13;
	v16 =	vpop (erf)  }
0x116: {  	v25 =	vnsel vm4, $0x0, v15;
	v16 =	vadd.f32 $1.000000000e+00, v16;
	v18 =	vpop (erf);
	(erf) = vrcp.f32 v12  }
0x117: {  	v10 =	vmin.u32 v10, $0x1FF;
	v3 =	vld [tilespmem:s7+$0x18C0];
	v12 =	vadd.f32 $1.000000000e+00, v18;
	(erf) = vrcp.f32 v14;
	v14 =	vpop (erf)  }
0x118: {  	v15 =	vmin.u32 v24, $0x1FF;
	v11 =	vshll.u32 v10, $0x9;
	v4 =	vld [tilespmem:s7+$0x18D0];
	v14 =	vadd.f32 $1.000000000e+00, v14  }
0x119: {  	v5 =	vld [tilespmem:s7+$0x18E0];
	v6 =	vnsel vm0, $0x0, v9;
	vm8 =	vgt.s32 v1, $0x0;
	vm9 =	vgt.s32 v2, $0x0  }
0x11a: {  	v9 =	vld [tilespmem:s7+$0x18F0];
	v1 =	vnsel vm8, $0x0, v1;
	v6 =	vmin.u32 v6, $0x1FF;
	(erf) = vrcp.f32 v16;
	v16 =	vpop (erf)  }
0x11b: {  	v2 =	vnsel vm9, $0x0, v2;
	(erf) = vrcp.f32 v12;
	v16 =	vadd.f32 $1.000000000e+00, v16;
	v12 =	vpop (erf)  }
0x11c: {  	v7 =	vld [tilespmem:s7+$0x3100];
	vm10 =	vgt.s32 v3, $0x0;
	v12 =	vadd.f32 $1.000000000e+00, v12;
	(erf) = vrcp.f32 v14;
	v14 =	vpop (erf)  }
0x11d: {  	v8 =	vld [tilespmem:s7+$0x3110];
	vm11 =	vgt.s32 v4, $0x0;
	(erf) = vrcp.f32 v16;
	v14 =	vadd.f32 $1.000000000e+00, v14  }
0x11e: {  	v3 =	vnsel vm10, $0x0, v3;
	v4 =	vnsel vm11, $0x0, v4;
	(erf) = vrcp.f32 v12  }
0x11f: {  	vm12 =	vgt.s32 v5, $0x0;
	vm13 =	vgt.s32 v9, $0x0;
	(erf) = vrcp.f32 v14  }
0x120: {  	v5 =	vnsel vm12, $0x0, v5;
	v4 =	vmin.u32 v4, $0x1FF;
	v9 =	vnsel vm13, $0x0, v9;
	v18 =	vld [tilespmem:s7+$0x3160]  }
0x121: {  	vm14 =	vgt.s32 v7, $0x0;
	v20 =	vmin.u32 v5, $0x1FF;
	v12 =	vmin.u32 v1, $0x1FF;
	v1 =	vpop (erf)  }
0x122: {  	vm15 =	vgt.s32 v8, $0x0;
	v9 =	vmin.u32 v9, $0x1FF;
	v21 =	vnsel vm14, $0x0, v7;
	[tilespmem:s7+$0x65F0] =	vst v1;
	v1 =	vpop (erf)  }
0x123: {  	v7 =	vshll.u32 v6, $0x9;
	v6 =	vshll.u32 v4, $0x9;
	v14 =	vmin.u32 v2, $0x1FF;
	[tilespmem:s7+$0x6580] =	vst v1;
	v2 =	vpop (erf)  }
0x124: {  	v4 =	vshll.u32 v20, $0x9;
	v22 =	vnsel vm15, $0x0, v8;
	v9 =	vshll.u32 v9, $0x9;
	[tilespmem:s7+$0x6590] =	vst v2;
	v5 =	vpop (erf)  }
0x125: {  	v13 =	vmin.u32 v22, $0x1FF;
	vm6 =	vgt.s32 v18, $0x0;
	v16 =	vmin.u32 v3, $0x1FF;
	[tilespmem:s7+$0x65A0] =	vst v5;
	v5 =	vpop (erf)  }
0x126: {  	v3 =	vnsel vm6, $0x0, v18;
	v10 =	vshll.u32 v12, $0x9;
	v1 =	vnsel vm5, $0x0, v17;
	[tilespmem:s7+$0x65B0] =	vst v5;
	v12 =	vpop (erf)  }
0x127: {  	v2 =	vnsel vm7, $0x0, v19;
	v8 =	vshll.u32 v14, $0x9;
	v14 =	vmin.u32 v21, $0x1FF;
	[tilespmem:s7+$0x65C0] =	vst v12;
	v17 =	vpop (erf)  }
0x128: {  	s8 =	simm.s32 $0x80;
	s9 =	simm.s32 $0x400;
	s6 =	simm.s32 $0x200;
	v5 =	vshll.u32 v16, $0x9;
	v16 =	vmin.u32 v23, $0x1FF;
	v12 =	vmin.u32 v25, $0x1FF;
	[tilespmem:s7+$0x65D0] =	vst v17;
	v17 =	vpop (erf)  }
.LBB2_8:
0x129: {  	p0 =	sne.s32 s9, $0x6000;
	v18 =	vld [tilespmem:s8+$0x70];
	v1 =	vmin.u32 v1, $0x1FF;
	v3 =	vmin.u32 v3, $0x1FF;
	[tilespmem:s7+$0x65E0] =	vst v17;
	v2 =	vmin.u32 v2, $0x1FF  }
0x12a: {  	v7 =	vor.u32 v14, v7;
	v11 =	vor.u32 v13, v11;
	v10 =	vor.u32 v16, v10;
	v17 =	vld [tilespmem:s8+$0x0]  }
0x12b: {  	v8 =	vor.u32 v15, v8;
	v5 =	vor.u32 v12, v5;
	v1 =	vor.u32 v1, v6;
	v13 =	vld [tilespmem:s8+$0x10]  }
0x12c: {  	v7 =	vor.u32 $0x40000, v7;
	v3 =	vor.u32 v3, v4;
	v2 =	vor.u32 v2, v9;
	v6 =	vld [tilespmem:s8+$0x20]  }
0x12d: {  	v9 =	vor.u32 $0x40000, v10;
	v8 =	vor.u32 $0x40000, v8;
	v4 =	vld [tilespmem:s8+$0x30];
	[tilespmem:s7+$0x9D80] =	vst v7;
	v7 =	vor.u32 $0x40000, v11  }
0x12e: {  	v5 =	vor.u32 $0x40000, v5;
	v1 =	vor.u32 $0x40000, v1;
	v10 =	vld [tilespmem:s8+$0x40];
	v11 =	vsub.f32 $0.0e+00, v18;
	[tilespmem:s7+$0x9D90] =	vst v7  }
0x12f: {  	v3 =	vor.u32 $0x40000, v3;
	v2 =	vor.u32 $0x40000, v2;
	v7 =	vsub.f32 $0.0e+00, v17;
	v12 =	vld [tilespmem:s8+$0x50];
	[tilespmem:s7+$0x9DA0] =	vst v9  }
0x130: {  	v9 =	vsub.f32 $0.0e+00, v13;
	v13 =	vld [tilespmem:s8+$0x60];
	v11 =	vmul.f32 $1.442695020e+00, v11;
	[tilespmem:s7+$0x9DB0] =	vst v8  }
0x131: {  	v8 =	vld [tilespmem:s8+$0x1880];
	v7 =	vmul.f32 $1.442695020e+00, v7;
	v6 =	vsub.f32 $0.0e+00, v6;
	[tilespmem:s7+$0x9DC0] =	vst v5  }
0x132: {  	v5 =	vld [tilespmem:s8+$0x1890];
	v9 =	vmul.f32 $1.442695020e+00, v9;
	v4 =	vsub.f32 $0.0e+00, v4;
	(erf) = vpow2.f32 v11;
	[tilespmem:s7+$0x9DD0] =	vst v1  }
0x133: {  	v1 =	vld [tilespmem:s8+$0x18A0];
	v6 =	vmul.f32 $1.442695020e+00, v6;
	v10 =	vsub.f32 $0.0e+00, v10;
	(erf) = vpow2.f32 v7;
	[tilespmem:s7+$0x9DE0] =	vst v3  }
0x134: {  	v3 =	vld [tilespmem:s8+$0x18B0];
	v4 =	vmul.f32 $1.442695020e+00, v4;
	v7 =	vsub.f32 $0.0e+00, v12;
	(erf) = vpow2.f32 v9;
	[tilespmem:s7+$0x9DF0] =	vst v2;
	s7 =	smov.u32 s8  }
0x135: {  	v2 =	vld [tilespmem:s7+$0x18C0];
	v9 =	vmul.f32 $1.442695020e+00, v10;
	v10 =	vsub.f32 $0.0e+00, v13;
	(erf) = vpow2.f32 v6  }
0x136: {  	vm0 =	vgt.s32 v8, $0x0;
	v6 =	vld [tilespmem:s7+$0x18D0];
	v7 =	vmul.f32 $1.442695020e+00, v7;
	(erf) = vpow2.f32 v4  }
0x137: {  	vm1 =	vgt.s32 v5, $0x0;
	v4 =	vld [tilespmem:s7+$0x18E0];
	v10 =	vmul.f32 $1.442695020e+00, v10;
	(erf) = vpow2.f32 v9  }
0x138: {  	v8 =	vnsel vm0, $0x0, v8;
	vm0 =	vgt.s32 v1, $0x0;
	v9 =	vld [tilespmem:s7+$0x18F0];
	(erf) = vpow2.f32 v7  }
0x139: {  	v5 =	vnsel vm1, $0x0, v5;
	v7 =	vld [tilespmem:s7+$0x3100];
	vm1 =	vgt.s32 v3, $0x0;
	(erf) = vpow2.f32 v10  }
0x13a: {  	v1 =	vnsel vm0, $0x0, v1;
	v10 =	vld [tilespmem:s7+$0x3110];
	v3 =	vnsel vm1, $0x0, v3;
	vm0 =	vgt.s32 v2, $0x0  }
0x13b: {  	v8 =	vmin.u32 v8, $0x1FF;
	v11 =	vld [tilespmem:s7+$0x3120];
	v2 =	vnsel vm0, $0x0, v2;
	vm0 =	vgt.s32 v6, $0x0;
	v12 =	vpop (erf)  }
0x13c: {  	v13 =	vld [tilespmem:s7+$0x3130];
	v6 =	vnsel vm0, $0x0, v6;
	vm0 =	vgt.s32 v4, $0x0;
	v12 =	vadd.f32 $1.000000000e+00, v12;
	v14 =	vpop (erf)  }
0x13d: {  	v19 =	vadd.f32 $1.000000000e+00, v14;
	v15 =	vld [tilespmem:s7+$0x3140];
	v4 =	vnsel vm0, $0x0, v4;
	vm0 =	vgt.s32 v9, $0x0;
	v16 =	vpop (erf)  }
0x13e: {  	v20 =	vadd.f32 $1.000000000e+00, v16;
	v17 =	vld [tilespmem:s7+$0x3150];
	v9 =	vnsel vm0, $0x0, v9;
	v18 =	vpop (erf);
	(erf) = vrcp.f32 v12  }
0x13f: {  	vm0 =	vgt.s32 v7, $0x0;
	v21 =	vadd.f32 $1.000000000e+00, v18;
	v18 =	vld [tilespmem:s7+$0x3160];
	(erf) = vrcp.f32 v19;
	v14 =	vpop (erf)  }
0x140: {  	vm1 =	vgt.s32 v10, $0x0;
	v22 =	vadd.f32 $1.000000000e+00, v14;
	v19 =	vld [tilespmem:s7+$0x3170];
	(erf) = vrcp.f32 v20;
	v16 =	vpop (erf)  }
0x141: {  	vm2 =	vgt.s32 v11, $0x0;
	v16 =	vadd.f32 $1.000000000e+00, v16;
	(erf) = vrcp.f32 v21;
	v12 =	vpop (erf)  }
0x142: {  	vm3 =	vgt.s32 v13, $0x0;
	v12 =	vadd.f32 $1.000000000e+00, v12;
	(erf) = vrcp.f32 v22;
	v14 =	vpop (erf)  }
0x143: {  	vm4 =	vgt.s32 v15, $0x0;
	v14 =	vadd.f32 $1.000000000e+00, v14;
	(erf) = vrcp.f32 v16  }
0x144: {  	vm5 =	vgt.s32 v17, $0x0;
	vm6 =	vgt.s32 v18, $0x0;
	(erf) = vrcp.f32 v12  }
0x145: {  	v5 =	vmin.u32 v5, $0x1FF;
	vm7 =	vgt.s32 v19, $0x0;
	(erf) = vrcp.f32 v14  }
0x146: {  	v16 =	vmin.u32 v2, $0x1FF;
	v12 =	vmin.u32 v1, $0x1FF;
	v14 =	vmin.u32 v3, $0x1FF  }
0x147: {  	v6 =	vmin.u32 v6, $0x1FF;
	v4 =	vmin.u32 v4, $0x1FF;
	v9 =	vmin.u32 v9, $0x1FF;
	v1 =	vpop (erf)  }
0x148: {  	v20 =	vnsel vm0, $0x0, v7;
	v21 =	vnsel vm1, $0x0, v10;
	v22 =	vnsel vm2, $0x0, v11;
	[tilespmem:s7+$0x65F0] =	vst v1;
	v1 =	vpop (erf)  }
0x149: {  	v23 =	vnsel vm3, $0x0, v13;
	v24 =	vnsel vm4, $0x0, v15;
	[tilespmem:s7+$0x6580] =	vst v1;
	v1 =	vnsel vm5, $0x0, v17;
	v2 =	vpop (erf)  }
.Ltmp3:
0x14a: {  	v7 =	vshll.u32 v8, $0x9;
	v3 =	vnsel vm6, $0x0, v18;
	[tilespmem:s7+$0x6590] =	vst v2;
	v2 =	vnsel vm7, $0x0, v19;
	v8 =	vpop (erf);
	(pc) =	sbr.rel @p0 .LBB2_8-.Ltmp3, $4  }
0x14b: {  	v11 =	vshll.u32 v5, $0x9;
	v10 =	vshll.u32 v12, $0x9;
	[tilespmem:s7+$0x65A0] =	vst v8;
	v8 =	vshll.u32 v14, $0x9;
	v5 =	vpop (erf)  }
0x14c: {  	v6 =	vshll.u32 v6, $0x9;
	v4 =	vshll.u32 v4, $0x9;
	[tilespmem:s7+$0x65B0] =	vst v5;
	v5 =	vshll.u32 v16, $0x9;
	v12 =	vpop (erf)  }
0x14d: {  	v9 =	vshll.u32 v9, $0x9;
	v13 =	vmin.u32 v21, $0x1FF;
	v14 =	vmin.u32 v20, $0x1FF;
	[tilespmem:s7+$0x65C0] =	vst v12;
	v17 =	vpop (erf)  }
0x14e: {  	s8 =	sshra.s32 s9, $0x2;
	s9 =	sadd.s32 $0x200, s9;
	v15 =	vmin.u32 v23, $0x1FF;
	v16 =	vmin.u32 v22, $0x1FF;
	v12 =	vmin.u32 v24, $0x1FF;
	[tilespmem:s7+$0x65D0] =	vst v17;
	v17 =	vpop (erf)  }
0x14f: {  	v18 =	vld [tilespmem:s8+$0x70];
	[tilespmem:s7+$0x65E0] =	vst v17  }
0x150: {  	v17 =	vld [tilespmem:s8+$0x0]  }
0x151: {  	v7 =	vor.u32 v14, v7;
	v19 =	vld [tilespmem:s8+$0x10]  }
0x152: {  	v11 =	vor.u32 v13, v11;
	v59 =	vld [tilespmem:s8+$0x20];
	v7 =	vor.u32 $0x40000, v7  }
0x153: {  	v10 =	vor.u32 v16, v10;
	v20 =	vld [tilespmem:s8+$0x30];
	v60 =	vor.u32 $0x40000, v11;
	[tilespmem:s7+$0x9D80] =	vst v7  }
0x154: {  	v8 =	vor.u32 v15, v8;
	v62 =	vor.u32 $0x40000, v10;
	v61 =	vld [tilespmem:s8+$0x40];
	[tilespmem:s7+$0x9D90] =	vst v60  }
0x155: {  	v1 =	vmin.u32 v1, $0x1FF;
	v5 =	vor.u32 v12, v5;
	v15 =	vor.u32 $0x40000, v8;
	v63 =	vld [tilespmem:s8+$0x50];
	[tilespmem:s7+$0x9DA0] =	vst v62  }
0x156: {  	v3 =	vmin.u32 v3, $0x1FF;
	v1 =	vor.u32 v1, v6;
	v5 =	vor.u32 $0x40000, v5;
	v16 =	vld [tilespmem:s8+$0x60];
	[tilespmem:s7+$0x9DB0] =	vst v15  }
0x157: {  	v2 =	vmin.u32 v2, $0x1FF;
	v3 =	vor.u32 v3, v4;
	v1 =	vor.u32 $0x40000, v1;
	v21 =	vld [tilespmem:s8+$0x1880];
	[tilespmem:s7+$0x9DC0] =	vst v5  }
0x158: {  	v2 =	vor.u32 v2, v9;
	v3 =	vor.u32 $0x40000, v3;
	v24 =	vld [tilespmem:s8+$0x1890];
	[tilespmem:s7+$0x9DD0] =	vst v1  }
0x159: {  	v2 =	vor.u32 $0x40000, v2;
	v27 =	vld [tilespmem:s8+$0x18A0];
	[tilespmem:s7+$0x9DE0] =	vst v3  }
0x15a: {  	v18 =	vsub.f32 $0.0e+00, v18;
	v3 =	vld [tilespmem:s8+$0x18B0];
	[tilespmem:s7+$0x9DF0] =	vst v2  }
0x15b: {  	v22 =	vsub.f32 $0.0e+00, v17;
	v23 =	vsub.f32 $0.0e+00, v19;
	v29 =	vld [tilespmem:s8+$0x18C0]  }
0x15c: {  	v25 =	vsub.f32 $0.0e+00, v59;
	v4 =	vmul.f32 $1.442695020e+00, v18;
	v30 =	vld [tilespmem:s8+$0x18D0]  }
0x15d: {  	v26 =	vsub.f32 $0.0e+00, v20;
	v7 =	vmul.f32 $1.442695020e+00, v22;
	v1 =	vmul.f32 $1.442695020e+00, v23;
	v31 =	vld [tilespmem:s8+$0x18F0]  }
0x15e: {  	v12 =	vmul.f32 $1.442695020e+00, v25;
	v11 =	vsub.f32 $0.0e+00, v61;
	(erf) = vpow2.f32 v4;
	v32 =	vld [tilespmem:s8+$0x3110]  }
0x15f: {  	v5 =	vmul.f32 $1.442695020e+00, v26;
	v28 =	vsub.f32 $0.0e+00, v63;
	(erf) = vpow2.f32 v7;
	v34 =	vld [tilespmem:s8+$0x3120]  }
0x160: {  	v2 =	vsub.f32 $0.0e+00, v16;
	v36 =	vld [tilespmem:s8+$0x3130];
	(erf) = vpow2.f32 v1;
	v1 =	vmul.f32 $1.442695020e+00, v11  }
0x161: {  	v38 =	vld [tilespmem:s8+$0x3140];
	v7 =	vmul.f32 $1.442695020e+00, v28;
	vm0 =	vgt.s32 v21, $0x0;
	(erf) = vpow2.f32 v12  }
0x162: {  	v40 =	vld [tilespmem:s8+$0x3150];
	v2 =	vmul.f32 $1.442695020e+00, v2;
	vm1 =	vgt.s32 v24, $0x0;
	v6 =	vnsel vm0, $0x0, v21  }
0x163: {  	v42 =	vld [tilespmem:s8+$0x3160];
	(erf) = vpow2.f32 v5;
	vm8 =	vgt.s32 v27, $0x0;
	v9 =	vnsel vm1, $0x0, v24  }
0x164: {  	v44 =	vld [tilespmem:s8+$0x3170];
	v6 =	vmin.u32 v6, $0x1FF;
	(erf) = vpow2.f32 v1;
	vm9 =	vgt.s32 v3, $0x0  }
0x165: {  	v4 =	vnsel vm8, $0x0, v27;
	v9 =	vmin.u32 v9, $0x1FF;
	v6 =	vshll.u32 v6, $0x9  }
0x166: {  	(erf) = vpow2.f32 v7;
	v3 =	vnsel vm9, $0x0, v3;
	vm10 =	vgt.s32 v29, $0x0  }
0x167: {  	vm11 =	vgt.s32 v30, $0x0;
	vm13 =	vgt.s32 v31, $0x0;
	vm15 =	vgt.s32 v32, $0x0  }
0x168: {  	vm2 =	vgt.s32 v34, $0x0;
	vm3 =	vgt.s32 v36, $0x0;
	vm4 =	vgt.s32 v38, $0x0  }
0x169: {  	vm5 =	vgt.s32 v40, $0x0;
	vm6 =	vgt.s32 v42, $0x0;
	vm7 =	vgt.s32 v44, $0x0  }
0x16a: {  	v4 =	vmin.u32 v4, $0x1FF;
	v9 =	vshll.u32 v9, $0x9;
	(erf) = vpow2.f32 v2  }
0x16b: {  	v8 =	vnsel vm10, $0x0, v29;
	v5 =	vnsel vm11, $0x0, v30;
	v7 =	vnsel vm13, $0x0, v31  }
0x16c: {  	v3 =	vmin.u32 v3, $0x1FF;
	v10 =	vnsel vm15, $0x0, v32;
	v12 =	vnsel vm2, $0x0, v34  }
0x16d: {  	v49 =	vnsel vm3, $0x0, v36;
	v51 =	vnsel vm4, $0x0, v38;
	v53 =	vnsel vm6, $0x0, v42  }
0x16e: {  	v54 =	vnsel vm7, $0x0, v44;
	v4 =	vshll.u32 v4, $0x9;
	v8 =	vmin.u32 v8, $0x1FF  }
0x16f: {  	v1 =	vld [tilespmem:s8+$0x18E0];
	v5 =	vmin.u32 v5, $0x1FF;
	v7 =	vmin.u32 v7, $0x1FF;
	v3 =	vshll.u32 v3, $0x9  }
0x170: {  	v10 =	vmin.u32 v10, $0x1FF;
	v59 =	vmin.u32 v12, $0x1FF;
	v60 =	vmin.u32 v49, $0x1FF  }
0x171: {  	v2 =	vld [tilespmem:s8+$0x3100];
	v61 =	vmin.u32 v51, $0x1FF;
	v62 =	vmin.u32 v53, $0x1FF;
	v8 =	vshll.u32 v8, $0x9  }
0x172: {  	v33 =	vpop (erf);
	v5 =	vshll.u32 v5, $0x9;
	v7 =	vshll.u32 v7, $0x9;
	v9 =	vor.u32 v10, v9  }
0x173: {  	v4 =	vor.u32 v59, v4;
	v3 =	vor.u32 v60, v3;
	v11 =	vadd.f32 $1.000000000e+00, v33;
	v35 =	vpop (erf)  }
0x174: {  	vm12 =	vgt.s32 v1, $0x0;
	v4 =	vor.u32 $0x40000, v4;
	v3 =	vor.u32 $0x40000, v3;
	v37 =	vpop (erf)  }
0x175: {  	v13 =	vadd.f32 $1.000000000e+00, v35;
	v1 =	vnsel vm12, $0x0, v1;
	v15 =	vadd.f32 $1.000000000e+00, v37  }
0x176: {  	v39 =	vpop (erf);
	(erf) = vrcp.f32 v11;
	vm14 =	vgt.s32 v2, $0x0;
	v1 =	vmin.u32 v1, $0x1FF  }
0x177: {  	v11 =	vnsel vm5, $0x0, v40;
	v17 =	vadd.f32 $1.000000000e+00, v39;
	(erf) = vrcp.f32 v13;
	v41 =	vpop (erf)  }
0x178: {  	v2 =	vnsel vm14, $0x0, v2;
	v1 =	vshll.u32 v1, $0x9;
	v13 =	vadd.f32 $1.000000000e+00, v41  }
0x179: {  	(erf) = vrcp.f32 v15;
	v43 =	vpop (erf);
	v2 =	vmin.u32 v2, $0x1FF;
	v1 =	vor.u32 v62, v1  }
0x17a: {  	[tilespmem:s8+$0x9DA0] =	vst v4;
	v15 =	vadd.f32 $1.000000000e+00, v43;
	(erf) = vrcp.f32 v17;
	v2 =	vor.u32 v2, v6  }
0x17b: {  	[tilespmem:s8+$0x9DB0] =	vst v3;
	v45 =	vpop (erf);
	v6 =	vor.u32 v61, v8;
	v1 =	vor.u32 $0x40000, v1;
	v2 =	vor.u32 $0x40000, v2  }
0x17c: {  	v17 =	vadd.f32 $1.000000000e+00, v45;
	(erf) = vrcp.f32 v13;
	v46 =	vpop (erf);
	[tilespmem:s8+$0x9D80] =	vst v2;
	v2 =	vor.u32 $0x40000, v9  }
0x17d: {  	v13 =	vadd.f32 $1.000000000e+00, v46;
	(erf) = vrcp.f32 v15;
	[tilespmem:s8+$0x9D90] =	vst v2;
	v2 =	vmin.u32 v11, $0x1FF  }
0x17e: {  	v63 =	vor.u32 $0x40000, v6;
	[tilespmem:s8+$0x9DE0] =	vst v1;
	(erf) = vrcp.f32 v17;
	v2 =	vor.u32 v2, v5  }
0x17f: {  	v3 =	vmin.u32 v54, $0x1FF;
	[tilespmem:s8+$0x9DC0] =	vst v63;
	(erf) = vrcp.f32 v13;
	v2 =	vor.u32 $0x40000, v2  }
0x180: {  	v3 =	vor.u32 v3, v7;
	v47 =	vpop (erf);
	[tilespmem:s8+$0x9DD0] =	vst v2  }
0x181: {  	v2 =	vor.u32 $0x40000, v3;
	[tilespmem:s8+$0x65F0] =	vst v47  }
0x182: {  	v48 =	vpop (erf);
	[tilespmem:s8+$0x9DF0] =	vst v2  }
0x183: {  	[tilespmem:s8+$0x6580] =	vst v48;
	v50 =	vpop (erf)  }
0x184: {  	[tilespmem:s8+$0x6590] =	vst v50;
	v52 =	vpop (erf)  }
0x185: {  	[tilespmem:s8+$0x65A0] =	vst v52;
	v55 =	vpop (erf)  }
0x186: {  	[tilespmem:s8+$0x65B0] =	vst v55;
	v56 =	vpop (erf)  }
0x187: {  	[tilespmem:s8+$0x65C0] =	vst v56;
	v57 =	vpop (erf)  }
0x188: {  	[tilespmem:s8+$0x65D0] =	vst v57;
	v58 =	vpop (erf)  }
0x189: {  	s9 =	simm.s32 $0x9D80;
	[tilespmem:s8+$0x65E0] =	vst v58;
	s8 =	simm.s32 $0x6580  }
0x18a: {  	[spmem:s1] =	stream.indirect.scatter.add.f32 [tilespmem:s8], [sflag:$0x1], $0x1, s9, s3, $0xb8;
	[tilespmem:$0x14180] =	vst v63  }
0x18b: {  	_ =	swait.ge [sflag:s30], $0x80  }
.LBB2_10:
0x18c: {  	s7 =	sshra.s32 s6, $0x2  }
0x18d: {  	[sflag:s30] =	ssyncset.done $0x0;
	p0 =	sne.s32 s6, $0x6000;
	s8 =	sadd.s32 $0x6580, s7  }
.Ltmp4:
0x18e: {  	s7 =	sadd.s32 $0x9D80, s7;
	[sflag:s30] =	ssyncadd.s32 $0xFFFFFF80;
	(pc) =	sbr.rel @p0 .LBB2_10-.Ltmp4, $3  }
0x18f: {  	[spmem:s1] =	stream.indirect.scatter.add.f32 [tilespmem:s8], [sflag:$0x1], $0x1, s7, s3, $0xb8;
	[tilespmem:$0x14180] =	vst v63  }
0x190: {  	s6 =	sadd.s32 $0x200, s6;
	_ =	sdelay $0x1  }
0x191: {  	_ =	swait.ge [sflag:s30], $0x80  }
0x192: {  	[sflag:s30] =	ssyncset.done $0x0  }
0x193: {  	s6 =	stileid.u32;
	s7 =	sshrl.u32 s4, $0x3;
	s5 =	sadd.s32 $0x1, s5  }
0x194: {  	[sflag:s30] =	ssyncadd.s32 $0xFFFFFF80;
	s6 =	sshll.u32 s6, $0x6;
	p0 =	sne.s32 s5, s25  }
.Ltmp5:
0x195: {  	[bflag:$0x0] =	sbarrier.arrive $0xFFFF;
	s6 =	sor.u32 $0x1C01, s6;
	(pc) =	sbr.rel @p0 .LBB2_1-.Ltmp5, $4  }
0x196: {  	[hbm:s24], [sflag:s6] =	dma.local [spmem:s7], $0x1000  }
0x197: {  	_ =	swait.ge [sflag:s30], $0x1000  }
0x198: {  	[sflag:s30] =	ssyncset.done $0x0  }
0x199: {  	[sflag:s30] =	ssyncadd.s32 $0xFFFFF000  }
0x19a: {  	_ =	sfence.sel $0x180000  }
0x19b: {  	[bflag:$0x0] =	sbarrier.arrive $0xFFFF  }
0x19c: {  	_ =	strace $0x90000047  }
0x19d: {  	s0 =	stileid.u32;
	[bflag:$0x2] =	sbarrier.arrive $0xFFFF  }
0x19e: {  	p0 =	sne.s32 s0, $0x0;
	s0 =	rddreg [dreg:$0x2]  }
0x19f: {  	s0 =	sadd.s32 @!p0 $0x100000, s0  }
0x1a0: {  	[sflag:s0] =	ssyncadd.tile.s32 @!p0 $0x1;
	_ =	shalt  }
.Lfunc_end2:
_tile_overlayer_lowered:
.L_overlay_start_2:
0x1a1: {  	(tag) =	ssettag $0x2  }
0x1a2: {  	s0 =	rddreg [dreg:$0x0];
	s2 =	stileid.u32  }
0x1a3: {  	s1 =	rddreg [dreg:$0x1];
	p0 =	sne.s32 s2, $0x0  }
0x1a4: {  	s3 =	rddreg [dreg:$0x2];
	[bflag:$0x3] =	sbarrier.arrive $0xFFFF;
	s2 =	simm.s32 @!p0 $0x1C01  }
0x1a5: {  	[timem:s3], [sflag:s2] =	dma.local @!p0 [hbm:s0], s1  }
0x1a6: {  	s0 =	simm.s32 @!p0 $0x1  }
0x1a7: {  	_ =	swait.ge @!p0 [sflag:s0], s1  }
0x1a8: {  	s1 =	ssub.s32 @!p0 $0x0, s1;
	[sflag:s0] =	ssyncset.done @!p0 $0x0  }
0x1a9: {  	[sflag:s0] =	ssyncadd.s32 @!p0 s1  }
0x1aa: {  	[bflag:$0x3] =	sbarrier.arrive $0xFFFF  }
0x1ab: {  	_ =	shalt  }

</sc_bundles>
